<compile_context>
chip_gen: v7x
topology: tpu7x:2x2x1
jax: 0.10.2.dev20260603
libtpu: 0.0.44.dev20260713+nightly
codegen_flags: <defaults>
</compile_context>

<pallas_src>
import functools

import jax
import jax.numpy as jnp
from jax import lax
from jax.experimental import pallas as pl
from jax.experimental.pallas import tpu as pltpu
from jax.experimental.pallas import tpu_sc as plsc

N = 10000
E = 320000
D = 128
DE = 16
DOUT = 16

NC = 2
NS = 16
NW = NC * NS
CH = 128
NCH = 80
E_PAD = NW * NCH * CH


def _proj_body(x_ref, wr_ref, ws_ref, xr_ref, xs_ref):
    xb = x_ref[...]
    xr_ref[...] = jnp.dot(xb, wr_ref[...], preferred_element_type=jnp.float32)
    xs_ref[...] = jnp.dot(xb, ws_ref[...], preferred_element_type=jnp.float32)


def _project(x, wr, ws):
    return pl.pallas_call(
        _proj_body,
        grid=(10,),
        in_specs=[
            pl.BlockSpec((N // 10, D), lambda i: (i, 0)),
            pl.BlockSpec((D, DOUT), lambda i: (0, 0)),
            pl.BlockSpec((D, DOUT), lambda i: (0, 0)),
        ],
        out_specs=[
            pl.BlockSpec((N // 10, DOUT), lambda i: (i, 0)),
            pl.BlockSpec((N // 10, DOUT), lambda i: (i, 0)),
        ],
        out_shape=[
            jax.ShapeDtypeStruct((N, DOUT), jnp.float32),
            jax.ShapeDtypeStruct((N, DOUT), jnp.float32),
        ],
    )(x, wr, ws)


NB = 20
NWAVE = NCH // NB


def _gather_sum(dst_idx, src_idx, xr, xs):
    mesh = plsc.VectorSubcoreMesh(core_axis_name="c", subcore_axis_name="s")
    wch = NB * CH

    @functools.partial(
        pl.kernel,
        out_type=jax.ShapeDtypeStruct((DOUT, E_PAD), jnp.float32),
        mesh=mesh,
        scratch_types=[
            pltpu.VMEM((NCH * CH,), jnp.int32),
            pltpu.VMEM((NCH * CH,), jnp.int32),
            pltpu.VMEM((wch, DOUT), jnp.float32),
            pltpu.VMEM((DOUT, wch), jnp.float32),
            pltpu.VMEM_SHARED((N, DOUT), jnp.float32),
            pltpu.VMEM_SHARED((N, DOUT), jnp.float32),
            pltpu.SemaphoreType.DMA,
        ],
        compiler_params=pltpu.CompilerParams(
            use_tc_tiling_on_sc=False, needs_layout_passes=False
        ),
    )
    def sc_kernel(dst_hbm, src_hbm, xr_hbm, xs_hbm, gt_hbm,
                  idxd, idxs, acc, acc_t, xr_sh, xs_sh, sem):
        sid = lax.axis_index("s")
        wid = sid * NC + lax.axis_index("c")
        rows = N // NS
        pltpu.sync_copy(
            xr_hbm.at[pl.ds(sid * rows, rows)],
            xr_sh.at[pl.ds(sid * rows, rows)],
        )
        pltpu.sync_copy(
            xs_hbm.at[pl.ds(sid * rows, rows)],
            xs_sh.at[pl.ds(sid * rows, rows)],
        )
        pltpu.sync_copy(dst_hbm.at[wid], idxd)
        pltpu.sync_copy(src_hbm.at[wid], idxs)
        plsc.subcore_barrier()
        base = wid * (NCH * CH)
        iota = lax.iota(jnp.int32, 16)
        diag = [lax.rem(iota + d, 16) for d in range(DOUT)]

        def wave(w, carry):
            off = base + w * wch
            pltpu.async_copy(
                xr_sh.at[idxd.at[pl.ds(w * wch, wch)]], acc, sem
            ).wait()
            pltpu.async_copy(
                xs_sh.at[idxs.at[pl.ds(w * wch, wch)]], acc, sem, add=True
            ).wait()

            def tile16(c, carry2):
                row_idx = c * 16 + iota
                for d in range(DOUT):
                    v = plsc.load_gather(acc, [row_idx, diag[d]])
                    plsc.store_scatter(acc_t, [diag[d], row_idx], v)
                return carry2

            lax.fori_loop(0, wch // 16, tile16, 0)
            pltpu.sync_copy(acc_t, gt_hbm.at[:, pl.ds(off, wch)])
            return carry

        lax.fori_loop(0, NWAVE, wave, 0)

    return sc_kernel(dst_idx, src_idx, xr, xs)


def _final_body(eat_ref, gt_ref, wet_ref, wut_ref, u_ref, bt_ref, out_ref):
    const = u_ref[0, 0] * wut_ref[...] + bt_ref[...]
    out_ref[...] = (
        jnp.dot(wet_ref[...], eat_ref[...], preferred_element_type=jnp.float32)
        + gt_ref[...]
        + const
    )


def _finalize(ea_t, g_t, we_t, wu_t, u, b_t):
    blk = 32000
    return pl.pallas_call(
        _final_body,
        grid=(E // blk,),
        in_specs=[
            pl.BlockSpec((DE, blk), lambda i: (0, i)),
            pl.BlockSpec((DOUT, blk), lambda i: (0, i)),
            pl.BlockSpec((DOUT, DE), lambda i: (0, 0)),
            pl.BlockSpec((DOUT, 1), lambda i: (0, 0)),
            pl.BlockSpec((1, 1), lambda i: (0, 0), memory_space=pltpu.SMEM),
            pl.BlockSpec((DOUT, 1), lambda i: (0, 0)),
        ],
        out_specs=pl.BlockSpec((DOUT, blk), lambda i: (0, i)),
        out_shape=jax.ShapeDtypeStruct((DOUT, E), jnp.float32),
    )(ea_t, g_t, we_t, wu_t, u, b_t)


def kernel(x, edge_index, edge_attr, u, W, b):
    wr = W[DE:DE + D]
    ws = W[DE + D:DE + 2 * D]
    we = W[:DE]
    wu = W[DE + 2 * D:]

    xr, xs = _project(x, wr, ws)

    idx = jnp.zeros((2, E_PAD), jnp.int32).at[:, :E].set(edge_index)
    dst_idx = idx[1].reshape(NW, NCH * CH)
    src_idx = idx[0].reshape(NW, NCH * CH)

    g_t = _gather_sum(dst_idx, src_idx, xr, xs)

    out_t = _finalize(
        edge_attr.T,
        g_t,
        we.T,
        wu.reshape(DOUT, 1),
        u.reshape(1, 1),
        b.reshape(DOUT, 1),
    )
    return out_t.T

# --- scband reference (transcript-rebuilt; emitter-appended) ---
"""Pipeline reference for scband-edge-block-34789235098351 (READ-ONLY COPY).

The authoritative reference and input builder live on the scoring server;
editing this copy changes nothing except your own understanding.
"""

import jax, jax.numpy as jnp
import numpy as np

N = 10000
E = 320000
D = 128
DE = 16
DIN = DE + D + D + 1  # edge_attr + receiver + sender + global = 273
DOUT = 16


def setup_inputs(seed: int = 0) -> dict:
    key = jax.random.key(seed)
    k1, k2, k3, k4, k5 = jax.random.split(key, 5)
    x = jax.random.normal(k1, (N, D), dtype=jnp.float32)
    edge_index = jax.random.randint(k2, (2, E), 0, N, dtype=jnp.int32)
    edge_attr = jax.random.normal(k3, (E, DE), dtype=jnp.float32)
    u = jax.random.normal(k4, (1,), dtype=jnp.float32)
    # edge model (nn.Linear(273, 16)) parameters
    W = jax.random.normal(k5, (DIN, DOUT), dtype=jnp.float32) * 0.05
    b = jnp.zeros((DOUT,), dtype=jnp.float32)
    return {"x": x, "edge_index": edge_index, "edge_attr": edge_attr, "u": u, "W": W, "b": b}


def reference(x, edge_index, edge_attr, u, W, b):
    # broadcast_receiver_nodes_to_edges: gather node feats at dst
    receiver_nodes = jnp.take(x, edge_index[1], axis=0)
    # broadcast_sender_nodes_to_edges: gather node feats at src
    sender_nodes = jnp.take(x, edge_index[0], axis=0)
    # broadcast_globals_to_edges: u.repeat((num_edges, 1))
    num_edges = edge_attr.shape[0]
    globals_to_edges = jnp.tile(u.reshape(1, -1), (num_edges, 1))
    collected_edges = jnp.concatenate(
        [edge_attr, receiver_nodes, sender_nodes, globals_to_edges], axis=-1
    )
    # edge model: Linear(273, 16)
    updated_edges = collected_edges @ W + b
    return updated_edges

if __name__ == "__main__":
    import jax
    _d = setup_inputs()
    print(jax.jit(kernel)(*tuple(_d.values())))

</pallas_src>

<mosaic_0001>
#map = affine_map<(d0, d1) -> (0, 0)>
module attributes {stable_mosaic.version = 14 : i64} {
  func.func @sc_kernel(%arg0: i32, %arg1: i32, %arg2: memref<32x10240xi32, #tpu.memory_space<hbm>>, %arg3: memref<32x10240xi32, #tpu.memory_space<hbm>>, %arg4: memref<10000x16xf32, #tpu.memory_space<hbm>>, %arg5: memref<10000x16xf32, #tpu.memory_space<hbm>>, %arg6: memref<16x327680xf32, #tpu.memory_space<hbm>>, %arg7: memref<10240xi32, #tpu.memory_space<vmem>>, %arg8: memref<10240xi32, #tpu.memory_space<vmem>>, %arg9: memref<2560x16xf32, #tpu.memory_space<vmem>>, %arg10: memref<16x2560xf32, #tpu.memory_space<vmem>>, %arg11: memref<10000x16xf32, #tpu.memory_space<vmem_shared>>, %arg12: memref<10000x16xf32, #tpu.memory_space<vmem_shared>>, %arg13: memref<!tpu.dma_semaphore, #tpu.memory_space<semaphore_mem>>) attributes {dimension_semantics = [#tpu.dimension_semantics<core_parallel>, #tpu.dimension_semantics<subcore_parallel>], iteration_bounds = array<i64: 2, 16>, scalar_prefetch = 0 : i64, scratch_operands = 7 : i64, tpu.core_type = #tpu.core_type<sc_vector_subcore>, window_params = [{transform_indices = #map}, {transform_indices = #map}, {transform_indices = #map}, {transform_indices = #map}, {transform_indices = #map}]} {
    %mul3A = arith.constant 2 : i32
    %mul3A_0 = arith.muli %arg1, %mul3A : i32
    %add3A = arith.addi %mul3A_0, %arg0 : i32
    %mul3A_1 = arith.constant 625 : i32
    %mul3A_2 = arith.muli %arg1, %mul3A_1 : i32
    %mul3A_3 = arith.constant 625 : i32
    %mul3A_4 = arith.muli %arg1, %mul3A_3 : i32
    "tpu.region"() ({
      %run_scoped3A = tpu.sem_alloc : memref<!tpu.dma_semaphore, #tpu.memory_space<semaphore_mem>>
      %dma_start3A = arith.constant 0 : i32
      %dma_start3A_111 = tpu.memref_slice %arg11[%mul3A_4, %dma_start3A] : memref<10000x16xf32, #tpu.memory_space<vmem_shared>> -> memref<625x16xf32, #tpu.memory_space<vmem_shared>>
      %dma_start3A_112 = arith.constant 0 : i32
      %dma_start3A_113 = tpu.memref_slice %arg4[%mul3A_2, %dma_start3A_112] : memref<10000x16xf32, #tpu.memory_space<hbm>> -> memref<625x16xf32, #tpu.memory_space<hbm>>
      tpu.enqueue_dma source(%dma_start3A_113 : memref<625x16xf32, #tpu.memory_space<hbm>>) target(%dma_start3A_111 : memref<625x16xf32, #tpu.memory_space<vmem_shared>>) target_semaphore(%run_scoped3A : memref<!tpu.dma_semaphore, #tpu.memory_space<semaphore_mem>>)
      %dma_wait3A = arith.constant 0 : i32
      %dma_wait3A_114 = tpu.memref_slice %arg11[%mul3A_4, %dma_wait3A] : memref<10000x16xf32, #tpu.memory_space<vmem_shared>> -> memref<625x16xf32, #tpu.memory_space<vmem_shared>>
      %dma_wait3A_115 = arith.constant 0 : i32
      %dma_wait3A_116 = tpu.memref_slice %arg4[%mul3A_2, %dma_wait3A_115] : memref<10000x16xf32, #tpu.memory_space<hbm>> -> memref<625x16xf32, #tpu.memory_space<hbm>>
      tpu.wait_dma2 semaphore(%run_scoped3A : memref<!tpu.dma_semaphore, #tpu.memory_space<semaphore_mem>>) src(%dma_wait3A_116 : memref<625x16xf32, #tpu.memory_space<hbm>>) dst(%dma_wait3A_114 : memref<625x16xf32, #tpu.memory_space<vmem_shared>>)
      tpu.yield
    }) : () -> ()
    %mul3A_5 = arith.constant 625 : i32
    %mul3A_6 = arith.muli %arg1, %mul3A_5 : i32
    %mul3A_7 = arith.constant 625 : i32
    %mul3A_8 = arith.muli %arg1, %mul3A_7 : i32
    "tpu.region"() ({
      %run_scoped3A = tpu.sem_alloc : memref<!tpu.dma_semaphore, #tpu.memory_space<semaphore_mem>>
      %dma_start3A = arith.constant 0 : i32
      %dma_start3A_111 = tpu.memref_slice %arg12[%mul3A_8, %dma_start3A] : memref<10000x16xf32, #tpu.memory_space<vmem_shared>> -> memref<625x16xf32, #tpu.memory_space<vmem_shared>>
      %dma_start3A_112 = arith.constant 0 : i32
      %dma_start3A_113 = tpu.memref_slice %arg5[%mul3A_6, %dma_start3A_112] : memref<10000x16xf32, #tpu.memory_space<hbm>> -> memref<625x16xf32, #tpu.memory_space<hbm>>
      tpu.enqueue_dma source(%dma_start3A_113 : memref<625x16xf32, #tpu.memory_space<hbm>>) target(%dma_start3A_111 : memref<625x16xf32, #tpu.memory_space<vmem_shared>>) target_semaphore(%run_scoped3A : memref<!tpu.dma_semaphore, #tpu.memory_space<semaphore_mem>>)
      %dma_wait3A = arith.constant 0 : i32
      %dma_wait3A_114 = tpu.memref_slice %arg12[%mul3A_8, %dma_wait3A] : memref<10000x16xf32, #tpu.memory_space<vmem_shared>> -> memref<625x16xf32, #tpu.memory_space<vmem_shared>>
      %dma_wait3A_115 = arith.constant 0 : i32
      %dma_wait3A_116 = tpu.memref_slice %arg5[%mul3A_6, %dma_wait3A_115] : memref<10000x16xf32, #tpu.memory_space<hbm>> -> memref<625x16xf32, #tpu.memory_space<hbm>>
      tpu.wait_dma2 semaphore(%run_scoped3A : memref<!tpu.dma_semaphore, #tpu.memory_space<semaphore_mem>>) src(%dma_wait3A_116 : memref<625x16xf32, #tpu.memory_space<hbm>>) dst(%dma_wait3A_114 : memref<625x16xf32, #tpu.memory_space<vmem_shared>>)
      tpu.yield
    }) : () -> ()
    "tpu.region"() ({
      %run_scoped3A = tpu.sem_alloc : memref<!tpu.dma_semaphore, #tpu.memory_space<semaphore_mem>>
      %dma_start3A = arith.constant 0 : i32
      %dma_start3A_111 = tpu.memref_slice %arg2[%add3A, %dma_start3A] : memref<32x10240xi32, #tpu.memory_space<hbm>> -> memref<1x10240xi32, #tpu.memory_space<hbm>>
      %dma_start3A_112 = tpu.memref_squeeze %dma_start3A_111 : memref<1x10240xi32, #tpu.memory_space<hbm>> -> memref<10240xi32, #tpu.memory_space<hbm>>
      %dma_start3A_113 = arith.constant 0 : i32
      %dma_start3A_114 = tpu.memref_slice %arg2[%add3A, %dma_start3A_113] : memref<32x10240xi32, #tpu.memory_space<hbm>> -> memref<1x10240xi32, #tpu.memory_space<hbm>>
      %dma_start3A_115 = tpu.memref_squeeze %dma_start3A_114 : memref<1x10240xi32, #tpu.memory_space<hbm>> -> memref<10240xi32, #tpu.memory_space<hbm>>
      tpu.enqueue_dma source(%dma_start3A_115 : memref<10240xi32, #tpu.memory_space<hbm>>) target(%arg7 : memref<10240xi32, #tpu.memory_space<vmem>>) target_semaphore(%run_scoped3A : memref<!tpu.dma_semaphore, #tpu.memory_space<semaphore_mem>>)
      %dma_wait3A = arith.constant 0 : i32
      %dma_wait3A_116 = tpu.memref_slice %arg2[%add3A, %dma_wait3A] : memref<32x10240xi32, #tpu.memory_space<hbm>> -> memref<1x10240xi32, #tpu.memory_space<hbm>>
      %dma_wait3A_117 = tpu.memref_squeeze %dma_wait3A_116 : memref<1x10240xi32, #tpu.memory_space<hbm>> -> memref<10240xi32, #tpu.memory_space<hbm>>
      %dma_wait3A_118 = arith.constant 0 : i32
      %dma_wait3A_119 = tpu.memref_slice %arg2[%add3A, %dma_wait3A_118] : memref<32x10240xi32, #tpu.memory_space<hbm>> -> memref<1x10240xi32, #tpu.memory_space<hbm>>
      %dma_wait3A_120 = tpu.memref_squeeze %dma_wait3A_119 : memref<1x10240xi32, #tpu.memory_space<hbm>> -> memref<10240xi32, #tpu.memory_space<hbm>>
      tpu.wait_dma2 semaphore(%run_scoped3A : memref<!tpu.dma_semaphore, #tpu.memory_space<semaphore_mem>>) src(%dma_wait3A_120 : memref<10240xi32, #tpu.memory_space<hbm>>) dst(%arg7 : memref<10240xi32, #tpu.memory_space<vmem>>)
      tpu.yield
    }) : () -> ()
    "tpu.region"() ({
      %run_scoped3A = tpu.sem_alloc : memref<!tpu.dma_semaphore, #tpu.memory_space<semaphore_mem>>
      %dma_start3A = arith.constant 0 : i32
      %dma_start3A_111 = tpu.memref_slice %arg3[%add3A, %dma_start3A] : memref<32x10240xi32, #tpu.memory_space<hbm>> -> memref<1x10240xi32, #tpu.memory_space<hbm>>
      %dma_start3A_112 = tpu.memref_squeeze %dma_start3A_111 : memref<1x10240xi32, #tpu.memory_space<hbm>> -> memref<10240xi32, #tpu.memory_space<hbm>>
      %dma_start3A_113 = arith.constant 0 : i32
      %dma_start3A_114 = tpu.memref_slice %arg3[%add3A, %dma_start3A_113] : memref<32x10240xi32, #tpu.memory_space<hbm>> -> memref<1x10240xi32, #tpu.memory_space<hbm>>
      %dma_start3A_115 = tpu.memref_squeeze %dma_start3A_114 : memref<1x10240xi32, #tpu.memory_space<hbm>> -> memref<10240xi32, #tpu.memory_space<hbm>>
      tpu.enqueue_dma source(%dma_start3A_115 : memref<10240xi32, #tpu.memory_space<hbm>>) target(%arg8 : memref<10240xi32, #tpu.memory_space<vmem>>) target_semaphore(%run_scoped3A : memref<!tpu.dma_semaphore, #tpu.memory_space<semaphore_mem>>)
      %dma_wait3A = arith.constant 0 : i32
      %dma_wait3A_116 = tpu.memref_slice %arg3[%add3A, %dma_wait3A] : memref<32x10240xi32, #tpu.memory_space<hbm>> -> memref<1x10240xi32, #tpu.memory_space<hbm>>
      %dma_wait3A_117 = tpu.memref_squeeze %dma_wait3A_116 : memref<1x10240xi32, #tpu.memory_space<hbm>> -> memref<10240xi32, #tpu.memory_space<hbm>>
      %dma_wait3A_118 = arith.constant 0 : i32
      %dma_wait3A_119 = tpu.memref_slice %arg3[%add3A, %dma_wait3A_118] : memref<32x10240xi32, #tpu.memory_space<hbm>> -> memref<1x10240xi32, #tpu.memory_space<hbm>>
      %dma_wait3A_120 = tpu.memref_squeeze %dma_wait3A_119 : memref<1x10240xi32, #tpu.memory_space<hbm>> -> memref<10240xi32, #tpu.memory_space<hbm>>
      tpu.wait_dma2 semaphore(%run_scoped3A : memref<!tpu.dma_semaphore, #tpu.memory_space<semaphore_mem>>) src(%dma_wait3A_120 : memref<10240xi32, #tpu.memory_space<hbm>>) dst(%arg8 : memref<10240xi32, #tpu.memory_space<vmem>>)
      tpu.yield
    }) : () -> ()
    %barrier3A = arith.constant 0 : index
    tpu.barrier barrier_id(%barrier3A)
    %mul3A_9 = arith.constant 10240 : i32
    %mul3A_10 = arith.muli %add3A, %mul3A_9 : i32
    %iota3A = tpu.iota {dimensions = array<i32: 0>} : vector<16xi32>
    %add3A_11 = arith.constant 0 : i32
    %add3A_12 = vector.broadcast %add3A_11 : i32 to vector<16xi32>
    %add3A_13 = arith.addi %iota3A, %add3A_12 : vector<16xi32>
    %rem3A = arith.constant 16 : i32
    %rem3A_14 = vector.broadcast %rem3A : i32 to vector<16xi32>
    %rem3A_15 = arith.remsi %add3A_13, %rem3A_14 : vector<16xi32>
    %add3A_16 = arith.constant 1 : i32
    %add3A_17 = vector.broadcast %add3A_16 : i32 to vector<16xi32>
    %add3A_18 = arith.addi %iota3A, %add3A_17 : vector<16xi32>
    %rem3A_19 = arith.constant 16 : i32
    %rem3A_20 = vector.broadcast %rem3A_19 : i32 to vector<16xi32>
    %rem3A_21 = arith.remsi %add3A_18, %rem3A_20 : vector<16xi32>
    %add3A_22 = arith.constant 2 : i32
    %add3A_23 = vector.broadcast %add3A_22 : i32 to vector<16xi32>
    %add3A_24 = arith.addi %iota3A, %add3A_23 : vector<16xi32>
    %rem3A_25 = arith.constant 16 : i32
    %rem3A_26 = vector.broadcast %rem3A_25 : i32 to vector<16xi32>
    %rem3A_27 = arith.remsi %add3A_24, %rem3A_26 : vector<16xi32>
    %add3A_28 = arith.constant 3 : i32
    %add3A_29 = vector.broadcast %add3A_28 : i32 to vector<16xi32>
    %add3A_30 = arith.addi %iota3A, %add3A_29 : vector<16xi32>
    %rem3A_31 = arith.constant 16 : i32
    %rem3A_32 = vector.broadcast %rem3A_31 : i32 to vector<16xi32>
    %rem3A_33 = arith.remsi %add3A_30, %rem3A_32 : vector<16xi32>
    %add3A_34 = arith.constant 4 : i32
    %add3A_35 = vector.broadcast %add3A_34 : i32 to vector<16xi32>
    %add3A_36 = arith.addi %iota3A, %add3A_35 : vector<16xi32>
    %rem3A_37 = arith.constant 16 : i32
    %rem3A_38 = vector.broadcast %rem3A_37 : i32 to vector<16xi32>
    %rem3A_39 = arith.remsi %add3A_36, %rem3A_38 : vector<16xi32>
    %add3A_40 = arith.constant 5 : i32
    %add3A_41 = vector.broadcast %add3A_40 : i32 to vector<16xi32>
    %add3A_42 = arith.addi %iota3A, %add3A_41 : vector<16xi32>
    %rem3A_43 = arith.constant 16 : i32
    %rem3A_44 = vector.broadcast %rem3A_43 : i32 to vector<16xi32>
    %rem3A_45 = arith.remsi %add3A_42, %rem3A_44 : vector<16xi32>
    %add3A_46 = arith.constant 6 : i32
    %add3A_47 = vector.broadcast %add3A_46 : i32 to vector<16xi32>
    %add3A_48 = arith.addi %iota3A, %add3A_47 : vector<16xi32>
    %rem3A_49 = arith.constant 16 : i32
    %rem3A_50 = vector.broadcast %rem3A_49 : i32 to vector<16xi32>
    %rem3A_51 = arith.remsi %add3A_48, %rem3A_50 : vector<16xi32>
    %add3A_52 = arith.constant 7 : i32
    %add3A_53 = vector.broadcast %add3A_52 : i32 to vector<16xi32>
    %add3A_54 = arith.addi %iota3A, %add3A_53 : vector<16xi32>
    %rem3A_55 = arith.constant 16 : i32
    %rem3A_56 = vector.broadcast %rem3A_55 : i32 to vector<16xi32>
    %rem3A_57 = arith.remsi %add3A_54, %rem3A_56 : vector<16xi32>
    %add3A_58 = arith.constant 8 : i32
    %add3A_59 = vector.broadcast %add3A_58 : i32 to vector<16xi32>
    %add3A_60 = arith.addi %iota3A, %add3A_59 : vector<16xi32>
    %rem3A_61 = arith.constant 16 : i32
    %rem3A_62 = vector.broadcast %rem3A_61 : i32 to vector<16xi32>
    %rem3A_63 = arith.remsi %add3A_60, %rem3A_62 : vector<16xi32>
    %add3A_64 = arith.constant 9 : i32
    %add3A_65 = vector.broadcast %add3A_64 : i32 to vector<16xi32>
    %add3A_66 = arith.addi %iota3A, %add3A_65 : vector<16xi32>
    %rem3A_67 = arith.constant 16 : i32
    %rem3A_68 = vector.broadcast %rem3A_67 : i32 to vector<16xi32>
    %rem3A_69 = arith.remsi %add3A_66, %rem3A_68 : vector<16xi32>
    %add3A_70 = arith.constant 10 : i32
    %add3A_71 = vector.broadcast %add3A_70 : i32 to vector<16xi32>
    %add3A_72 = arith.addi %iota3A, %add3A_71 : vector<16xi32>
    %rem3A_73 = arith.constant 16 : i32
    %rem3A_74 = vector.broadcast %rem3A_73 : i32 to vector<16xi32>
    %rem3A_75 = arith.remsi %add3A_72, %rem3A_74 : vector<16xi32>
    %add3A_76 = arith.constant 11 : i32
    %add3A_77 = vector.broadcast %add3A_76 : i32 to vector<16xi32>
    %add3A_78 = arith.addi %iota3A, %add3A_77 : vector<16xi32>
    %rem3A_79 = arith.constant 16 : i32
    %rem3A_80 = vector.broadcast %rem3A_79 : i32 to vector<16xi32>
    %rem3A_81 = arith.remsi %add3A_78, %rem3A_80 : vector<16xi32>
    %add3A_82 = arith.constant 12 : i32
    %add3A_83 = vector.broadcast %add3A_82 : i32 to vector<16xi32>
    %add3A_84 = arith.addi %iota3A, %add3A_83 : vector<16xi32>
    %rem3A_85 = arith.constant 16 : i32
    %rem3A_86 = vector.broadcast %rem3A_85 : i32 to vector<16xi32>
    %rem3A_87 = arith.remsi %add3A_84, %rem3A_86 : vector<16xi32>
    %add3A_88 = arith.constant 13 : i32
    %add3A_89 = vector.broadcast %add3A_88 : i32 to vector<16xi32>
    %add3A_90 = arith.addi %iota3A, %add3A_89 : vector<16xi32>
    %rem3A_91 = arith.constant 16 : i32
    %rem3A_92 = vector.broadcast %rem3A_91 : i32 to vector<16xi32>
    %rem3A_93 = arith.remsi %add3A_90, %rem3A_92 : vector<16xi32>
    %add3A_94 = arith.constant 14 : i32
    %add3A_95 = vector.broadcast %add3A_94 : i32 to vector<16xi32>
    %add3A_96 = arith.addi %iota3A, %add3A_95 : vector<16xi32>
    %rem3A_97 = arith.constant 16 : i32
    %rem3A_98 = vector.broadcast %rem3A_97 : i32 to vector<16xi32>
    %rem3A_99 = arith.remsi %add3A_96, %rem3A_98 : vector<16xi32>
    %add3A_100 = arith.constant 15 : i32
    %add3A_101 = vector.broadcast %add3A_100 : i32 to vector<16xi32>
    %add3A_102 = arith.addi %iota3A, %add3A_101 : vector<16xi32>
    %rem3A_103 = arith.constant 16 : i32
    %rem3A_104 = vector.broadcast %rem3A_103 : i32 to vector<16xi32>
    %rem3A_105 = arith.remsi %add3A_102, %rem3A_104 : vector<16xi32>
    %scan3A = arith.constant 0 : i32
    %scan3A_106 = arith.constant 0 : i32
    %scan3A_107 = arith.constant 4 : i32
    %scan3A_108 = arith.addi %scan3A_106, %scan3A_107 : i32
    %scan3A_109 = arith.constant 1 : i32
    scf.for %scan3A_111 = %scan3A_106 to %scan3A_108 step %scan3A_109  : i32 {
      %mul3A_112 = arith.constant 2560 : i32
      %mul3A_113 = arith.muli %scan3A_111, %mul3A_112 : i32
      %add3A_114 = arith.addi %mul3A_10, %mul3A_113 : i32
      %mul3A_115 = arith.constant 2560 : i32
      %mul3A_116 = arith.muli %scan3A_111, %mul3A_115 : i32
      %dma_start3A = tpu.memref_slice %arg7[%mul3A_116] : memref<10240xi32, #tpu.memory_space<vmem>> -> memref<2560xi32, #tpu.memory_space<vmem>>
      %dma_start3A_117 = arith.constant 0 : i32
      %dma_start3A_118 = arith.constant 0 : i32
      %dma_start3A_119 = tpu.memref_slice %arg11[%dma_start3A_117, %dma_start3A_118] : memref<10000x16xf32, #tpu.memory_space<vmem_shared>> -> memref<10000x16xf32, #tpu.memory_space<vmem_shared>>
      tpu.enqueue_indirect_dma source(%dma_start3A_119 : memref<10000x16xf32, #tpu.memory_space<vmem_shared>>) target(%arg9 : memref<2560x16xf32, #tpu.memory_space<vmem>>) offsets(%dma_start3A : memref<2560xi32, #tpu.memory_space<vmem>>) semaphore(%arg13 : memref<!tpu.dma_semaphore, #tpu.memory_space<semaphore_mem>>)
      %dma_wait3A = tpu.memref_slice %arg7[%mul3A_116] : memref<10240xi32, #tpu.memory_space<vmem>> -> memref<2560xi32, #tpu.memory_space<vmem>>
      %dma_wait3A_120 = arith.constant 0 : i32
      %dma_wait3A_121 = arith.constant 0 : i32
      %dma_wait3A_122 = tpu.memref_slice %arg11[%dma_wait3A_120, %dma_wait3A_121] : memref<10000x16xf32, #tpu.memory_space<vmem_shared>> -> memref<10000x16xf32, #tpu.memory_space<vmem_shared>>
      tpu.wait_indirect_dma semaphore(%arg13 : memref<!tpu.dma_semaphore, #tpu.memory_space<semaphore_mem>>) src(%dma_wait3A_122 : memref<10000x16xf32, #tpu.memory_space<vmem_shared>>) dst(%arg9 : memref<2560x16xf32, #tpu.memory_space<vmem>>)
      %mul3A_123 = arith.constant 2560 : i32
      %mul3A_124 = arith.muli %scan3A_111, %mul3A_123 : i32
      %dma_start3A_125 = tpu.memref_slice %arg8[%mul3A_124] : memref<10240xi32, #tpu.memory_space<vmem>> -> memref<2560xi32, #tpu.memory_space<vmem>>
      %dma_start3A_126 = arith.constant 0 : i32
      %dma_start3A_127 = arith.constant 0 : i32
      %dma_start3A_128 = tpu.memref_slice %arg12[%dma_start3A_126, %dma_start3A_127] : memref<10000x16xf32, #tpu.memory_space<vmem_shared>> -> memref<10000x16xf32, #tpu.memory_space<vmem_shared>>
      tpu.enqueue_indirect_dma source(%dma_start3A_128 : memref<10000x16xf32, #tpu.memory_space<vmem_shared>>) target(%arg9 : memref<2560x16xf32, #tpu.memory_space<vmem>>) offsets(%dma_start3A_125 : memref<2560xi32, #tpu.memory_space<vmem>>) semaphore(%arg13 : memref<!tpu.dma_semaphore, #tpu.memory_space<semaphore_mem>>) {add = true}
      %dma_wait3A_129 = tpu.memref_slice %arg8[%mul3A_124] : memref<10240xi32, #tpu.memory_space<vmem>> -> memref<2560xi32, #tpu.memory_space<vmem>>
      %dma_wait3A_130 = arith.constant 0 : i32
      %dma_wait3A_131 = arith.constant 0 : i32
      %dma_wait3A_132 = tpu.memref_slice %arg12[%dma_wait3A_130, %dma_wait3A_131] : memref<10000x16xf32, #tpu.memory_space<vmem_shared>> -> memref<10000x16xf32, #tpu.memory_space<vmem_shared>>
      tpu.wait_indirect_dma semaphore(%arg13 : memref<!tpu.dma_semaphore, #tpu.memory_space<semaphore_mem>>) src(%dma_wait3A_132 : memref<10000x16xf32, #tpu.memory_space<vmem_shared>>) dst(%arg9 : memref<2560x16xf32, #tpu.memory_space<vmem>>)
      %scan3A_133 = arith.constant 0 : i32
      %scan3A_134 = arith.constant 0 : i32
      %scan3A_135 = arith.constant 160 : i32
      %scan3A_136 = arith.addi %scan3A_134, %scan3A_135 : i32
      %scan3A_137 = arith.constant 1 : i32
      scf.for %scan3A_139 = %scan3A_134 to %scan3A_136 step %scan3A_137  : i32 {
        %mul3A_140 = arith.constant 16 : i32
        %mul3A_141 = arith.muli %scan3A_139, %mul3A_140 : i32
        %add3A_142 = vector.broadcast %mul3A_141 : i32 to vector<16xi32>
        %add3A_143 = arith.addi %add3A_142, %iota3A : vector<16xi32>
        %gather3A = tpu.vector_load_idx %arg9[%add3A_143, %rem3A_15] : memref<2560x16xf32, #tpu.memory_space<vmem>>[vector<16xi32>, vector<16xi32>], vector<16xf32>,
        tpu.vector_store_idx %arg10[%rem3A_15, %add3A_143], %gather3A : memref<16x2560xf32, #tpu.memory_space<vmem>>[vector<16xi32>, vector<16xi32>], vector<16xf32>,
        %gather3A_144 = tpu.vector_load_idx %arg9[%add3A_143, %rem3A_21] : memref<2560x16xf32, #tpu.memory_space<vmem>>[vector<16xi32>, vector<16xi32>], vector<16xf32>,
        tpu.vector_store_idx %arg10[%rem3A_21, %add3A_143], %gather3A_144 : memref<16x2560xf32, #tpu.memory_space<vmem>>[vector<16xi32>, vector<16xi32>], vector<16xf32>,
        %gather3A_145 = tpu.vector_load_idx %arg9[%add3A_143, %rem3A_27] : memref<2560x16xf32, #tpu.memory_space<vmem>>[vector<16xi32>, vector<16xi32>], vector<16xf32>,
        tpu.vector_store_idx %arg10[%rem3A_27, %add3A_143], %gather3A_145 : memref<16x2560xf32, #tpu.memory_space<vmem>>[vector<16xi32>, vector<16xi32>], vector<16xf32>,
        %gather3A_146 = tpu.vector_load_idx %arg9[%add3A_143, %rem3A_33] : memref<2560x16xf32, #tpu.memory_space<vmem>>[vector<16xi32>, vector<16xi32>], vector<16xf32>,
        tpu.vector_store_idx %arg10[%rem3A_33, %add3A_143], %gather3A_146 : memref<16x2560xf32, #tpu.memory_space<vmem>>[vector<16xi32>, vector<16xi32>], vector<16xf32>,
        %gather3A_147 = tpu.vector_load_idx %arg9[%add3A_143, %rem3A_39] : memref<2560x16xf32, #tpu.memory_space<vmem>>[vector<16xi32>, vector<16xi32>], vector<16xf32>,
        tpu.vector_store_idx %arg10[%rem3A_39, %add3A_143], %gather3A_147 : memref<16x2560xf32, #tpu.memory_space<vmem>>[vector<16xi32>, vector<16xi32>], vector<16xf32>,
        %gather3A_148 = tpu.vector_load_idx %arg9[%add3A_143, %rem3A_45] : memref<2560x16xf32, #tpu.memory_space<vmem>>[vector<16xi32>, vector<16xi32>], vector<16xf32>,
        tpu.vector_store_idx %arg10[%rem3A_45, %add3A_143], %gather3A_148 : memref<16x2560xf32, #tpu.memory_space<vmem>>[vector<16xi32>, vector<16xi32>], vector<16xf32>,
        %gather3A_149 = tpu.vector_load_idx %arg9[%add3A_143, %rem3A_51] : memref<2560x16xf32, #tpu.memory_space<vmem>>[vector<16xi32>, vector<16xi32>], vector<16xf32>,
        tpu.vector_store_idx %arg10[%rem3A_51, %add3A_143], %gather3A_149 : memref<16x2560xf32, #tpu.memory_space<vmem>>[vector<16xi32>, vector<16xi32>], vector<16xf32>,
        %gather3A_150 = tpu.vector_load_idx %arg9[%add3A_143, %rem3A_57] : memref<2560x16xf32, #tpu.memory_space<vmem>>[vector<16xi32>, vector<16xi32>], vector<16xf32>,
        tpu.vector_store_idx %arg10[%rem3A_57, %add3A_143], %gather3A_150 : memref<16x2560xf32, #tpu.memory_space<vmem>>[vector<16xi32>, vector<16xi32>], vector<16xf32>,
        %gather3A_151 = tpu.vector_load_idx %arg9[%add3A_143, %rem3A_63] : memref<2560x16xf32, #tpu.memory_space<vmem>>[vector<16xi32>, vector<16xi32>], vector<16xf32>,
        tpu.vector_store_idx %arg10[%rem3A_63, %add3A_143], %gather3A_151 : memref<16x2560xf32, #tpu.memory_space<vmem>>[vector<16xi32>, vector<16xi32>], vector<16xf32>,
        %gather3A_152 = tpu.vector_load_idx %arg9[%add3A_143, %rem3A_69] : memref<2560x16xf32, #tpu.memory_space<vmem>>[vector<16xi32>, vector<16xi32>], vector<16xf32>,
        tpu.vector_store_idx %arg10[%rem3A_69, %add3A_143], %gather3A_152 : memref<16x2560xf32, #tpu.memory_space<vmem>>[vector<16xi32>, vector<16xi32>], vector<16xf32>,
        %gather3A_153 = tpu.vector_load_idx %arg9[%add3A_143, %rem3A_75] : memref<2560x16xf32, #tpu.memory_space<vmem>>[vector<16xi32>, vector<16xi32>], vector<16xf32>,
        tpu.vector_store_idx %arg10[%rem3A_75, %add3A_143], %gather3A_153 : memref<16x2560xf32, #tpu.memory_space<vmem>>[vector<16xi32>, vector<16xi32>], vector<16xf32>,
        %gather3A_154 = tpu.vector_load_idx %arg9[%add3A_143, %rem3A_81] : memref<2560x16xf32, #tpu.memory_space<vmem>>[vector<16xi32>, vector<16xi32>], vector<16xf32>,
        tpu.vector_store_idx %arg10[%rem3A_81, %add3A_143], %gather3A_154 : memref<16x2560xf32, #tpu.memory_space<vmem>>[vector<16xi32>, vector<16xi32>], vector<16xf32>,
        %gather3A_155 = tpu.vector_load_idx %arg9[%add3A_143, %rem3A_87] : memref<2560x16xf32, #tpu.memory_space<vmem>>[vector<16xi32>, vector<16xi32>], vector<16xf32>,
        tpu.vector_store_idx %arg10[%rem3A_87, %add3A_143], %gather3A_155 : memref<16x2560xf32, #tpu.memory_space<vmem>>[vector<16xi32>, vector<16xi32>], vector<16xf32>,
        %gather3A_156 = tpu.vector_load_idx %arg9[%add3A_143, %rem3A_93] : memref<2560x16xf32, #tpu.memory_space<vmem>>[vector<16xi32>, vector<16xi32>], vector<16xf32>,
        tpu.vector_store_idx %arg10[%rem3A_93, %add3A_143], %gather3A_156 : memref<16x2560xf32, #tpu.memory_space<vmem>>[vector<16xi32>, vector<16xi32>], vector<16xf32>,
        %gather3A_157 = tpu.vector_load_idx %arg9[%add3A_143, %rem3A_99] : memref<2560x16xf32, #tpu.memory_space<vmem>>[vector<16xi32>, vector<16xi32>], vector<16xf32>,
        tpu.vector_store_idx %arg10[%rem3A_99, %add3A_143], %gather3A_157 : memref<16x2560xf32, #tpu.memory_space<vmem>>[vector<16xi32>, vector<16xi32>], vector<16xf32>,
        %gather3A_158 = tpu.vector_load_idx %arg9[%add3A_143, %rem3A_105] : memref<2560x16xf32, #tpu.memory_space<vmem>>[vector<16xi32>, vector<16xi32>], vector<16xf32>,
        tpu.vector_store_idx %arg10[%rem3A_105, %add3A_143], %gather3A_158 : memref<16x2560xf32, #tpu.memory_space<vmem>>[vector<16xi32>, vector<16xi32>], vector<16xf32>,
      }
      %scan3A_138 = arith.constant 160 : i32
      "tpu.region"() ({
        %run_scoped3A = tpu.sem_alloc : memref<!tpu.dma_semaphore, #tpu.memory_space<semaphore_mem>>
        %dma_start3A_139 = arith.constant 0 : i32
        %dma_start3A_140 = tpu.memref_slice %arg6[%dma_start3A_139, %add3A_114] : memref<16x327680xf32, #tpu.memory_space<hbm>> -> memref<16x2560xf32, #tpu.memory_space<hbm>>
        %dma_start3A_141 = arith.constant 0 : i32
        %dma_start3A_142 = tpu.memref_slice %arg6[%dma_start3A_141, %add3A_114] : memref<16x327680xf32, #tpu.memory_space<hbm>> -> memref<16x2560xf32, #tpu.memory_space<hbm>>
        tpu.enqueue_dma source(%arg10 : memref<16x2560xf32, #tpu.memory_space<vmem>>) target(%dma_start3A_142 : memref<16x2560xf32, #tpu.memory_space<hbm>>) target_semaphore(%run_scoped3A : memref<!tpu.dma_semaphore, #tpu.memory_space<semaphore_mem>>)
        %dma_wait3A_143 = arith.constant 0 : i32
        %dma_wait3A_144 = tpu.memref_slice %arg6[%dma_wait3A_143, %add3A_114] : memref<16x327680xf32, #tpu.memory_space<hbm>> -> memref<16x2560xf32, #tpu.memory_space<hbm>>
        %dma_wait3A_145 = arith.constant 0 : i32
        %dma_wait3A_146 = tpu.memref_slice %arg6[%dma_wait3A_145, %add3A_114] : memref<16x327680xf32, #tpu.memory_space<hbm>> -> memref<16x2560xf32, #tpu.memory_space<hbm>>
        tpu.wait_dma2 semaphore(%run_scoped3A : memref<!tpu.dma_semaphore, #tpu.memory_space<semaphore_mem>>) src(%arg10 : memref<16x2560xf32, #tpu.memory_space<vmem>>) dst(%dma_wait3A_146 : memref<16x2560xf32, #tpu.memory_space<hbm>>)
        tpu.yield
      }) : () -> ()
    }
    %scan3A_110 = arith.constant 4 : i32
    return
  }
}

module attributes {stable_mosaic.version = 14 : i64} {
  func.func @_proj_body(%arg0: i32, %arg1: memref<1000x128xf32, #tpu.memory_space<vmem>>, %arg2: memref<128x16xf32, #tpu.memory_space<vmem>>, %arg3: memref<128x16xf32, #tpu.memory_space<vmem>>, %arg4: memref<1000x16xf32, #tpu.memory_space<vmem>>, %arg5: memref<1000x16xf32, #tpu.memory_space<vmem>>) attributes {dimension_semantics = [#tpu.dimension_semantics<arbitrary>], iteration_bounds = array<i64: 10>, scalar_prefetch = 0 : i64, scratch_operands = 0 : i64, tpu.core_type = #tpu.core_type<tc>, window_params = [{transform_indices = @transform_0, window_bounds = array<i64: 1000, 128>}, {pipeline_mode = #tpu.pipeline_mode<synchronous>, transform_indices = @transform_1, window_bounds = array<i64: 128, 16>}, {pipeline_mode = #tpu.pipeline_mode<synchronous>, transform_indices = @transform_2, window_bounds = array<i64: 128, 16>}, {transform_indices = @transform_3, window_bounds = array<i64: 1000, 16>}, {transform_indices = @transform_4, window_bounds = array<i64: 1000, 16>}]} {
    %get3A = arith.constant 0 : index
    %get3A_0 = arith.constant 0 : index
    %get3A_1 = vector.load %arg1[%get3A, %get3A_0] : memref<1000x128xf32, #tpu.memory_space<vmem>>, vector<1000x128xf32>
    %get3A_2 = arith.constant 0 : index
    %get3A_3 = arith.constant 0 : index
    %get3A_4 = vector.load %arg2[%get3A_2, %get3A_3] : memref<128x16xf32, #tpu.memory_space<vmem>>, vector<128x16xf32>
    %dot_general3A = arith.constant dense<0.000000e+00> : vector<1000x16xf32>
    %dot_general3A_5 = tpu.matmul %get3A_1, %get3A_4, %dot_general3A {dimension_numbers = #tpu.dot_dimension_numbers<[1], [0], [0], [1], [0, 0, 1, 1], [], []>, transpose_lhs_hint = false} : vector<1000x128xf32>, vector<128x16xf32>, vector<1000x16xf32> -> vector<1000x16xf32>
    %swap3A = arith.constant 0 : index
    %swap3A_6 = arith.constant 0 : index
    %swap3A_7 = vector.load %arg4[%swap3A, %swap3A_6] : memref<1000x16xf32, #tpu.memory_space<vmem>>, vector<1000x16xf32>
    tpu.vector_store %arg4[%swap3A, %swap3A_6], %dot_general3A_5 {strides = array<i32>} : memref<1000x16xf32, #tpu.memory_space<vmem>>, vector<1000x16xf32>,
    %get3A_8 = arith.constant 0 : index
    %get3A_9 = arith.constant 0 : index
    %get3A_10 = vector.load %arg3[%get3A_8, %get3A_9] : memref<128x16xf32, #tpu.memory_space<vmem>>, vector<128x16xf32>
    %dot_general3A_11 = arith.constant dense<0.000000e+00> : vector<1000x16xf32>
    %dot_general3A_12 = tpu.matmul %get3A_1, %get3A_10, %dot_general3A_11 {dimension_numbers = #tpu.dot_dimension_numbers<[1], [0], [0], [1], [0, 0, 1, 1], [], []>, transpose_lhs_hint = false} : vector<1000x128xf32>, vector<128x16xf32>, vector<1000x16xf32> -> vector<1000x16xf32>
    %swap3A_13 = arith.constant 0 : index
    %swap3A_14 = arith.constant 0 : index
    %swap3A_15 = vector.load %arg5[%swap3A_13, %swap3A_14] : memref<1000x16xf32, #tpu.memory_space<vmem>>, vector<1000x16xf32>
    tpu.vector_store %arg5[%swap3A_13, %swap3A_14], %dot_general3A_12 {strides = array<i32>} : memref<1000x16xf32, #tpu.memory_space<vmem>>, vector<1000x16xf32>,
    return
  }
  func.func @transform_0(%arg0: i32) -> (i32, i32) {
    %c0_i32 = arith.constant 0 : i32
    %c0_i32_0 = arith.constant 0 : i32
    return %arg0, %c0_i32 : i32, i32
  }
  func.func @transform_1(%arg0: i32) -> (i32, i32) {
    %c0_i32 = arith.constant 0 : i32
    %c0_i32_0 = arith.constant 0 : i32
    %c0_i32_1 = arith.constant 0 : i32
    return %c0_i32, %c0_i32_0 : i32, i32
  }
  func.func @transform_2(%arg0: i32) -> (i32, i32) {
    %c0_i32 = arith.constant 0 : i32
    %c0_i32_0 = arith.constant 0 : i32
    %c0_i32_1 = arith.constant 0 : i32
    return %c0_i32, %c0_i32_0 : i32, i32
  }
  func.func @transform_3(%arg0: i32) -> (i32, i32) {
    %c0_i32 = arith.constant 0 : i32
    %c0_i32_0 = arith.constant 0 : i32
    return %arg0, %c0_i32 : i32, i32
  }
  func.func @transform_4(%arg0: i32) -> (i32, i32) {
    %c0_i32 = arith.constant 0 : i32
    %c0_i32_0 = arith.constant 0 : i32
    return %arg0, %c0_i32 : i32, i32
  }
}

module attributes {stable_mosaic.version = 14 : i64} {
  func.func @_final_body(%arg0: i32, %arg1: memref<16x32000xf32, #tpu.memory_space<vmem>>, %arg2: memref<16x32000xf32, #tpu.memory_space<vmem>>, %arg3: memref<16x16xf32, #tpu.memory_space<vmem>>, %arg4: memref<16x1xf32, #tpu.memory_space<vmem>>, %arg5: memref<1x1xf32, #tpu.memory_space<smem>>, %arg6: memref<16x1xf32, #tpu.memory_space<vmem>>, %arg7: memref<16x32000xf32, #tpu.memory_space<vmem>>) attributes {dimension_semantics = [#tpu.dimension_semantics<arbitrary>], iteration_bounds = array<i64: 10>, scalar_prefetch = 0 : i64, scratch_operands = 0 : i64, tpu.core_type = #tpu.core_type<tc>, window_params = [{transform_indices = @transform_0, window_bounds = array<i64: 16, 32000>}, {transform_indices = @transform_1, window_bounds = array<i64: 16, 32000>}, {pipeline_mode = #tpu.pipeline_mode<synchronous>, transform_indices = @transform_2, window_bounds = array<i64: 16, 16>}, {pipeline_mode = #tpu.pipeline_mode<synchronous>, transform_indices = @transform_3, window_bounds = array<i64: 16, 1>}, {transform_indices = @transform_4, window_bounds = array<i64: 1, 1>}, {pipeline_mode = #tpu.pipeline_mode<synchronous>, transform_indices = @transform_5, window_bounds = array<i64: 16, 1>}, {transform_indices = @transform_6, window_bounds = array<i64: 16, 32000>}]} {
    %get3A = arith.constant 0 : index
    %get3A_0 = arith.constant 0 : index
    %get3A_1 = memref.load %arg5[%get3A, %get3A_0] : memref<1x1xf32, #tpu.memory_space<smem>>
    %get3A_2 = arith.constant 0 : index
    %get3A_3 = arith.constant 0 : index
    %get3A_4 = vector.load %arg4[%get3A_2, %get3A_3] : memref<16x1xf32, #tpu.memory_space<vmem>>, vector<16x1xf32>
    %mul3A = vector.broadcast %get3A_1 : f32 to vector<16x1xf32>
    %mul3A_5 = arith.mulf %mul3A, %get3A_4 : vector<16x1xf32>
    %get3A_6 = arith.constant 0 : index
    %get3A_7 = arith.constant 0 : index
    %get3A_8 = vector.load %arg6[%get3A_6, %get3A_7] : memref<16x1xf32, #tpu.memory_space<vmem>>, vector<16x1xf32>
    %add3A = arith.addf %mul3A_5, %get3A_8 : vector<16x1xf32>
    %get3A_9 = arith.constant 0 : index
    %get3A_10 = arith.constant 0 : index
    %get3A_11 = vector.load %arg3[%get3A_9, %get3A_10] : memref<16x16xf32, #tpu.memory_space<vmem>>, vector<16x16xf32>
    %get3A_12 = arith.constant 0 : index
    %get3A_13 = arith.constant 0 : index
    %get3A_14 = vector.load %arg1[%get3A_12, %get3A_13] : memref<16x32000xf32, #tpu.memory_space<vmem>>, vector<16x32000xf32>
    %dot_general3A = arith.constant dense<0.000000e+00> : vector<16x32000xf32>
    %dot_general3A_15 = tpu.matmul %get3A_11, %get3A_14, %dot_general3A {dimension_numbers = #tpu.dot_dimension_numbers<[1], [0], [0], [1], [0, 0, 1, 1], [], []>, transpose_lhs_hint = false} : vector<16x16xf32>, vector<16x32000xf32>, vector<16x32000xf32> -> vector<16x32000xf32>
    %get3A_16 = arith.constant 0 : index
    %get3A_17 = arith.constant 0 : index
    %get3A_18 = vector.load %arg2[%get3A_16, %get3A_17] : memref<16x32000xf32, #tpu.memory_space<vmem>>, vector<16x32000xf32>
    %add3A_19 = arith.addf %dot_general3A_15, %get3A_18 : vector<16x32000xf32>
    %add3A_20 = vector.broadcast %add3A : vector<16x1xf32> to vector<16x32000xf32>
    %add3A_21 = arith.addf %add3A_19, %add3A_20 : vector<16x32000xf32>
    %swap3A = arith.constant 0 : index
    %swap3A_22 = arith.constant 0 : index
    %swap3A_23 = vector.load %arg7[%swap3A, %swap3A_22] : memref<16x32000xf32, #tpu.memory_space<vmem>>, vector<16x32000xf32>
    tpu.vector_store %arg7[%swap3A, %swap3A_22], %add3A_21 {strides = array<i32>} : memref<16x32000xf32, #tpu.memory_space<vmem>>, vector<16x32000xf32>,
    return
  }
  func.func @transform_0(%arg0: i32) -> (i32, i32) {
    %c0_i32 = arith.constant 0 : i32
    %c0_i32_0 = arith.constant 0 : i32
    return %c0_i32, %arg0 : i32, i32
  }
  func.func @transform_1(%arg0: i32) -> (i32, i32) {
    %c0_i32 = arith.constant 0 : i32
    %c0_i32_0 = arith.constant 0 : i32
    return %c0_i32, %arg0 : i32, i32
  }
  func.func @transform_2(%arg0: i32) -> (i32, i32) {
    %c0_i32 = arith.constant 0 : i32
    %c0_i32_0 = arith.constant 0 : i32
    %c0_i32_1 = arith.constant 0 : i32
    return %c0_i32, %c0_i32_0 : i32, i32
  }
  func.func @transform_3(%arg0: i32) -> (i32, i32) {
    %c0_i32 = arith.constant 0 : i32
    %c0_i32_0 = arith.constant 0 : i32
    %c0_i32_1 = arith.constant 0 : i32
    return %c0_i32, %c0_i32_0 : i32, i32
  }
  func.func @transform_4(%arg0: i32) -> (i32, i32) {
    %c0_i32 = arith.constant 0 : i32
    %c0_i32_0 = arith.constant 0 : i32
    %c0_i32_1 = arith.constant 0 : i32
    return %c0_i32, %c0_i32_0 : i32, i32
  }
  func.func @transform_5(%arg0: i32) -> (i32, i32) {
    %c0_i32 = arith.constant 0 : i32
    %c0_i32_0 = arith.constant 0 : i32
    %c0_i32_1 = arith.constant 0 : i32
    return %c0_i32, %c0_i32_0 : i32, i32
  }
  func.func @transform_6(%arg0: i32) -> (i32, i32) {
    %c0_i32 = arith.constant 0 : i32
    %c0_i32_0 = arith.constant 0 : i32
    return %c0_i32, %arg0 : i32, i32
  }
}

</mosaic_0001>

<sc_bundles>
// kernel: kernel.5.cloned.1.call-start
scs
__scs_entry_jumppad:
0x0: {  	(pc) =	sbr.rel $0x88, $3  }
0x1: {  	(tag) =	ssettag $0x0;
	lr =	simm.s32 $0x1  }
0x2: {  	[smem:$0x3F9B] =	sst lr;
	_ =	strace $0xD0000000  }
0x3: {  	_ = 	snop  }
0x4: {  	_ = 	snop  }
0x5: {  	_ = 	snop  }
0x6: {  	_ = 	snop  }
0x7: {  	_ = 	snop  }
__scs_overlays_trampoline_lowered:
0x8: {  	[smem:$0x3FAA] =	sst s0  }
0x9: {  	[smem:$0x3FAB] =	sst s1  }
0xa: {  	[smem:$0x3FAC] =	sst s2  }
0xb: {  	[smem:$0x3FAD] =	sst s3  }
0xc: {  	[smem:$0x3FAE] =	sst s4  }
0xd: {  	[smem:$0x3FAF] =	sst s5  }
0xe: {  	[smem:$0x3FB0] =	sst s6  }
0xf: {  	[smem:$0x3FB1] =	sst s7  }
0x10: {  	[smem:$0x3FB2] =	sst s8  }
0x11: {  	[smem:$0x3FB3] =	sst s9;
	s0 =	simm.s32 @!p0 $0x0  }
0x12: {  	s1 =	sld [smem:$0x3F99];
	s0 =	simm.s32 @p0 $0x1  }
0x13: {  	[smem:$0x3FB4] =	sst s0;
	s0 =	simm.s32 @!p1 $0x0  }
0x14: {  	s2 =	sld [smem:$0x3F98];
	s0 =	simm.s32 @p1 $0x1  }
0x15: {  	[smem:$0x3FB5] =	sst s0;
	s0 =	simm.s32 @!p2 $0x0  }
0x16: {  	s3 =	sld [smem:$0x3FDB];
	s0 =	simm.s32 @p2 $0x1  }
0x17: {  	s4 =	simm.s32 $0x1BF5;
	[smem:$0x3FB7] =	sst s0  }
0x18: {  	s0 =	sld [smem:$0x3F9A];
	_ =	swait.ge [sflag:s4], $0x0  }
0x19: {  	s7 =	sld [smem:$0x3F9B]  }
0x1a: {  	s8 =	sadd.s32 $0xFFFFE003, lr  }
0x1b: {  	s9 =	sadd.s32 $0xFFFFFEF7, lr;
	s5 =	simm.s32 $0xFFFFFFFF;
	p2 =	slt.u32 s8, $0xFFFFF086  }
0x1c: {  	p1 =	slt.u32 s9, $0xF7A;
	s5 =	simm.s32 @!p2 $0x0  }
0x1d: {  	s5 =	simm.s32 @p1 $0x1;
	p0 =	seq.s32 s7, s2  }
0x1e: {  	s7 =	smul.u32 @!p0 $0xF7A, s2;
	p2 =	seq.s32 @!p0 s5, $0x0  }
0x1f: {  	s9 =	smul.u32 $0xF7A, s1;
	s8 =	simm.s32 @!p0 $0x1BF5;
	p2 =	por !p2, p0  }
0x20: {  	[sflag:s8] =	ssyncset.s32 @!p0 $0xFFFFF086;
	s6 =	sadd.s32 @!p0 s3, s7;
	s7 =	simm.s32 @!p0 $0x108  }
0x21: {  	s3 =	sadd.s32 s3, s9;
	s6 =	sadd.s32 @!p0 $0x88, s6;
	s7 =	simm.s32 @p2 $0x1082  }
0x22: {  	[simem:s7], [sflag:s8] =	dma.local @!p0 [hbm:s6], $0xF7A  }
0x23: {  	s9 =	sor.u32 $0xD0000000, s2;
	s6 =	simm.s32 $0x108;
	_ =	swait.ge @!p0 [sflag:s8], $0x0  }
0x24: {  	s3 =	sadd.s32 $0x88, s3;
	s6 =	simm.s32 @!p1 $0x1082;
	[sflag:s4] =	ssyncset.s32 $0xFFFFF086  }
0x25: {  	[simem:s6], [sflag:s4] =	dma.local [hbm:s3], $0xF7A  }
0x26: {  	[smem:$0x3F9B] =	sst s1;
	(tag) =	ssettag s2;
	_ =	strace s9  }
0x27: {  	s1 =	sld [smem:$0x3FAB]  }
0x28: {  	s2 =	sld [smem:$0x3FAC]  }
0x29: {  	s4 =	sld [smem:$0x3FAE]  }
0x2a: {  	p0 =	seq.s32 s5, $0x0;
	s5 =	sld [smem:$0x3FAF]  }
0x2b: {  	s6 =	sld [smem:$0x3FB0]  }
0x2c: {  	s7 =	sld [smem:$0x3FB1]  }
0x2d: {  	s3 =	simm.s32 $0x108;
	s8 =	sld [smem:$0x3FB2]  }
0x2e: {  	s3 =	simm.s32 @!p0 $0x1082;
	s9 =	sld [smem:$0x3FB3]  }
0x2f: {  	lr =	sadd.s32 s0, s3;
	s0 =	sld [smem:$0x3FAA]  }
0x30: {  	s3 =	sld [smem:$0x3FAD]  }
0x31: {  	[smem:$0x3FB6] =	sst s10  }
0x32: {  	s10 =	sld [smem:$0x3FB4];
	_ =	sdelay $0x3  }
0x33: {  	p0 =	seq.s32 s10, $0x1;
	s10 =	sld [smem:$0x3FB6];
	_ =	sdelay $0x3  }
0x34: {  	[smem:$0x3FB6] =	sst s10  }
0x35: {  	s10 =	sld [smem:$0x3FB5];
	_ =	sdelay $0x3  }
0x36: {  	p1 =	seq.s32 s10, $0x1;
	s10 =	sld [smem:$0x3FB6];
	_ =	sdelay $0x3  }
0x37: {  	[smem:$0x3FB6] =	sst s10  }
0x38: {  	s10 =	sld [smem:$0x3FB7]  }
0x39: {  	_ = 	snop;
	(pc) =	sbr.ind lr, $3  }
0x3a: {  	_ = 	snop  }
0x3b: {  	_ = 	snop  }
0x3c: {  	p2 =	seq.s32 s10, $0x1;
	s10 =	sld [smem:$0x3FB6]  }
0x3d: {  	_ =	shalt  }
0x3e: {  	_ =	shalt  }
0x3f: {  	_ =	shalt  }
0x40: {  	_ =	shalt  }
0x41: {  	_ =	shalt  }
0x42: {  	_ =	shalt  }
0x43: {  	_ =	shalt  }
0x44: {  	_ =	shalt  }
0x45: {  	_ =	shalt  }
0x46: {  	_ =	shalt  }
0x47: {  	_ =	shalt  }
0x48: {  	_ =	shalt  }
0x49: {  	_ =	shalt  }
0x4a: {  	_ =	shalt  }
0x4b: {  	_ =	shalt  }
0x4c: {  	_ =	shalt  }
0x4d: {  	_ =	shalt  }
0x4e: {  	_ =	shalt  }
0x4f: {  	_ =	shalt  }
0x50: {  	_ =	shalt  }
0x51: {  	_ =	shalt  }
0x52: {  	_ =	shalt  }
0x53: {  	_ =	shalt  }
0x54: {  	_ =	shalt  }
0x55: {  	_ =	shalt  }
0x56: {  	_ =	shalt  }
0x57: {  	_ =	shalt  }
0x58: {  	_ =	shalt  }
0x59: {  	_ =	shalt  }
0x5a: {  	_ =	shalt  }
0x5b: {  	_ =	shalt  }
0x5c: {  	_ =	shalt  }
0x5d: {  	_ =	shalt  }
0x5e: {  	_ =	shalt  }
0x5f: {  	_ =	shalt  }
0x60: {  	_ =	shalt  }
0x61: {  	_ =	shalt  }
0x62: {  	_ =	shalt  }
0x63: {  	_ =	shalt  }
0x64: {  	_ =	shalt  }
0x65: {  	_ =	shalt  }
0x66: {  	_ =	shalt  }
0x67: {  	_ =	shalt  }
0x68: {  	_ =	shalt  }
0x69: {  	_ =	shalt  }
0x6a: {  	_ =	shalt  }
0x6b: {  	_ =	shalt  }
0x6c: {  	_ =	shalt  }
0x6d: {  	_ =	shalt  }
0x6e: {  	_ =	shalt  }
0x6f: {  	_ =	shalt  }
0x70: {  	_ =	shalt  }
0x71: {  	_ =	shalt  }
0x72: {  	_ =	shalt  }
0x73: {  	_ =	shalt  }
0x74: {  	_ =	shalt  }
0x75: {  	_ =	shalt  }
0x76: {  	_ =	shalt  }
0x77: {  	_ =	shalt  }
0x78: {  	_ =	shalt  }
0x79: {  	_ =	shalt  }
0x7a: {  	_ =	shalt  }
0x7b: {  	_ =	shalt  }
0x7c: {  	_ =	shalt  }
0x7d: {  	_ =	shalt  }
0x7e: {  	_ =	shalt  }
0x7f: {  	_ =	shalt  }
0x80: {  	_ =	shalt  }
0x81: {  	_ =	shalt  }
0x82: {  	_ =	shalt  }
0x83: {  	_ =	shalt  }
0x84: {  	_ =	shalt  }
0x85: {  	_ =	shalt  }
0x86: {  	_ =	shalt  }
0x87: {  	_ =	shalt  }
.Lfunc_end0:
.L_simem_size_0:
called_computation_lowered:
.L_overlay_start_0:
0x88: {  	s2 =	sld [smem:$0x3FD9]  }
0x89: {  	s3 =	sld [smem:$0x3FFE];
	_ =	sdelay $0x1  }
0x8a: {  	s1 =	srdreg.scid  }
0x8b: {  	s0 =	sand.u32 $0x1, s1  }
0x8c: {  	s17 =	sshll.u32 s0, $0xA;
	s2 =	sadd.s32 s3, s2  }
0x8d: {  	s2 =	sadd.s32 s2, s17  }
0x8e: {  	[smem:$0x3FC2] =	sst s2  }
0x8f: {  	_ = 	snop  }
0x90: {  	s2 =	sld [smem:$0x3FD0];
	(tm) =	ssettm $0x1  }
0x91: {  	s18 =	sld [smem:$0x3FFB];
	_ =	sdelay $0x3  }
0x92: {  	_ =	strace s18  }
0x93: {  	s3 =	sld [smem:$0x3FFC];
	_ =	sdelay $0x3  }
0x94: {  	_ =	strace s3  }
0x95: {  	s3 =	sld [smem:$0x3FFD];
	_ =	sdelay $0x3  }
0x96: {  	_ =	strace s3  }
0x97: {  	_ =	strace $0x8FFFFFFF  }
0x98: {  	s19 =	sld [smem:$0x3FDB];
	_ =	sdelay $0x1  }
0x99: {  	s4 =	simm.s32 $_scs_section_size  }
0x9a: {  	s5 =	simm.s32 $_size__tile_overlayer_lowered;
	s6 =	simm.s32 $_tile_overlayer_lowered  }
0x9b: {  	s22 =	simm.s32 $0x1BFF;
	s21 =	sshll.u32 s6, $0x1;
	s3 =	sadd.s32 s4, s19  }
0x9c: {  	s7 =	simm.s32 $0x0;
	s20 =	sshll.u32 s5, $0x1;
	s5 =	sadd.s32 s21, s3  }
0x9d: {  	[timem:s7], [sflag:s22] =	dma.local [hbm:s5], s20  }
0x9e: {  	_ =	swait.ge [sflag:s22], s20  }
0x9f: {  	s4 =	ssub.s32 $0x0, s20;
	[sflag:s22] =	ssyncset.done $0x0  }
0xa0: {  	[sflag:s22] =	ssyncadd.s32 s4;
	_ =	sdelay $0x1  }
0xa1: {  	s23 =	simm.s32 $0x1B8B  }
0xa2: {  	_ =	swait.ge [sflag:s23], $0x1  }
0xa3: {  	[sflag:s23] =	ssyncset.done $0x0  }
0xa4: {  	s25 =	simm.s32 $0x1B8E;
	s24 =	sld [smem:$0x3FFE];
	[sflag:s23] =	ssyncadd.s32 $0xFFFFFFFF  }
0xa5: {  	s26 =	simm.s32 $execute0_lowered;
	[smem:$0x3FD2] =	sst s25  }
0xa6: {  	s5 =	sshll.u32 s26, $0x1;
	_ =	strace $0x80000046;
	[dreg:$0x1] =	wrdreg $0xFFFFFFFF  }
0xa7: {  	s28 =	simm.s32 $_size_execute0_lowered;
	s3 =	sadd.s32 s3, s5;
	[dreg:$0x0] =	wrdreg $0x0  }
0xa8: {  	s5 =	sshll.u32 s28, $0x1;
	[dreg:$0x2] =	wrdreg s3  }
0xa9: {  	[dreg:$0x3] =	wrdreg s5  }
0xaa: {  	[dreg:$0x4] =	wrdreg $0xC0  }
0xab: {  	_ =	task [dreg:s7], $0x5FFFF  }
0xac: {  	[dreg:$0x1] =	wrdreg $0xFFFFFFFF  }
0xad: {  	[dreg:$0x0] =	wrdreg $0x60  }
0xae: {  	[dreg:$0x2] =	wrdreg s24  }
0xaf: {  	[dreg:$0x3] =	wrdreg s2  }
0xb0: {  	[dreg:$0x4] =	wrdreg $0x190000  }
0xb1: {  	[dreg:$0x5] =	wrdreg $0x1B7100  }
0xb2: {  	[dreg:$0x6] =	wrdreg $0x9  }
0xb3: {  	_ =	task.clear_ibuf [dreg:s7], $0x7FFFF;
	_ =	strace $0x90000046  }
0xb4: {  	s29 =	simm.s32 $0x9;
	_ =	strace $0x80000048  }
0xb5: {  	_ =	swait.ge [sflag:s29], $0x1  }
0xb6: {  	[sflag:s29] =	ssyncadd.s32 $0xFFFFFFFF  }
0xb7: {  	_ =	strace $0x90000048  }
0xb8: {  	_ =	sfence  }
0xb9: {  	s30 =	sld [smem:$0x0];
	_ =	sdelay $0x2  }
0xba: {  	s31 =	sshll.u32 s1, $0xD;
	s1 =	sshrl.u32 s1, $0x2  }
0xbb: {  	s3 =	sand.u32 $0x4000, s31;
	s1 =	sadd.s32 s1, s30  }
0xbc: {  	s0 =	sor.u32 s3, s0;
	s1 =	sshll.u32 s1, $0x11  }
0xbd: {  	s0 =	sor.u32 s1, s0  }
0xbe: {  	s0 =	sadd.s32 $0x8F2B, s0  }
0xbf: {  	[sflag:s0] =	ssyncadd.remote.s32 $0x1  }
0xc0: {  	_ =	sfence.sel $0xFFFF  }
0xc1: {  	[dreg:$0x0] =	wrdreg $0xFFFFFFFF;
	(pc) =	sbr.abs _section_cstart, $3  }
0xc2: {  	[dreg:$0x1] =	wrdreg $0xFFFFFFFF  }
0xc3: {  	_ =	task.clear_ibuf [dreg:s7], $0x2FFFF;
	_ =	strace $0x9FFFFFFF  }
0xc4: {  	(tm) =	ssettm $0x7FFFFFFF  }
0xc5: {  	_ =	shalt  }
tec
execute0_lowered:
.L_overlay_start_1:
0x0: {  	(tag) =	ssettag $0x1  }
0x1: {  	vm14 =	vcmask $0x300;
	v0 =	vimm.s32 $0x9607  }
0x2: {  	vm13 =	vcmask $0x704;
	vm12 =	vcmask $0xB08;
	vm11 =	vcmask $0xF0C  }
0x3: {  	vm10 =	vcmask $0x1310;
	vm9 =	vcmask $0x1714;
	vm8 =	vcmask $0x1B18  }
0x4: {  	vm7 =	vcmask $0x1F1C;
	vm6 =	vcmask $0x2320;
	vm4 =	vcmask $0x2724  }
0x5: {  	vm3 =	vcmask $0x2B28;
	v1 =	vimm.s32 $0x7;
	vm2 =	vcmask $0x2F2C  }
0x6: {  	vm1 =	vcmask $0x3330;
	vm0 =	vcmask $0x3734;
	v3 =	vimm.s32 $0xFEDCBA9  }
0x7: {  	v4 =	vimm.s32 $0x87654321;
	vm5 =	vcmask $0x3B38;
	v6 =	vimm.s32 $0x98765432  }
0x8: {  	v7 =	vimm.s32 $0x1407;
	v8 =	vimm.s32 $0x1E07;
	v9 =	vimm.s32 $0xA9876543  }
0x9: {  	v12 =	vimm.s32 $0x3207;
	v13 =	vimm.s32 $0xCBA98765;
	v0 =	vsel vm14, $0x0, v0  }
0xa: {  	v14 =	vimm.s32 $0xDCBA9876;
	v26 =	vimm.s32 $0x76543210;
	v0 =	vsel vm13, $0xA01, v0  }
0xb: {  	v33 =	vimm.s32 $0x5A07;
	v62 =	vimm.s32 $0x7807;
	v0 =	vsel vm12, $0x1402, v0  }
0xc: {  	v1 =	vsel vm14, $0xA00, v1;
	v3 =	vunpack.c.l.s4.s8 v3;
	v0 =	vsel vm11, $0x1E03, v0  }
0xd: {  	v4 =	vunpack.c.l.s4.s8 v4;
	v1 =	vsel vm13, $0x1401, v1;
	v0 =	vsel vm10, $0x2804, v0  }
0xe: {  	v6 =	vunpack.c.l.s4.s8 v6;
	v1 =	vsel vm12, $0x1E02, v1;
	v0 =	vsel vm9, $0x3205, v0  }
0xf: {  	v16 =	vunpack.c.0.s8.s32 v3;
	v3 =	vimm.s32 $0xA07;
	v0 =	vsel vm8, $0x3C06, v0  }
0x10: {  	v17 =	vunpack.c.0.s8.s32 v4;
	v1 =	vsel vm11, $0x2803, v1;
	v0 =	vsel vm7, $0x4607, v0  }
0x11: {  	v3 =	vsel vm14, $0x1400, v3;
	v1 =	vsel vm10, $0x3204, v1;
	v0 =	vsel vm6, $0x5000, v0  }
0x12: {  	v3 =	vsel vm13, $0x1E01, v3;
	v1 =	vsel vm9, $0x3C05, v1;
	v0 =	vsel vm4, $0x5A01, v0  }
0x13: {  	v4 =	vcombine.low v17, v16;
	v1 =	vsel vm8, $0x4606, v1;
	v0 =	vsel vm3, $0x6402, v0  }
0x14: {  	v3 =	vsel vm12, $0x2802, v3;
	v1 =	vsel vm7, $0x5007, v1;
	v2 =	vsel vm2, $0x6E03, v0  }
0x15: {  	v3 =	vsel vm11, $0x3203, v3;
	v1 =	vsel vm6, $0x5A00, v1;
	v2 =	vsel vm1, $0x7804, v2  }
0x16: {  	v3 =	vsel vm10, $0x3C04, v3;
	v5 =	vsel vm4, $0x6401, v1;
	v2 =	vsel vm0, $0x8205, v2  }
0x17: {  	v3 =	vsel vm9, $0x4605, v3;
	v5 =	vsel vm3, $0x6E02, v5;
	v1 =	vsel vm5, $0x8C06, v2  }
0x18: {  	v2 =	vand.u32 $0xF, v4;
	v4 =	vsel vm2, $0x7803, v5;
	v5 =	vimm.s32 $0x10FEDCBA  }
0x19: {  	v8 =	vsel vm14, $0x2800, v8;
	v3 =	vsel vm8, $0x5006, v3;
	v5 =	vunpack.c.l.s4.s8 v5  }
0x1a: {  	v9 =	vunpack.c.l.s4.s8 v9;
	v19 =	vunpack.c.0.s8.s32 v6;
	v3 =	vsel vm7, $0x5A07, v3  }
0x1b: {  	v3 =	vsel vm6, $0x6400, v3;
	v18 =	vunpack.c.0.s8.s32 v5;
	v5 =	vsel vm14, $0x1E00, v7  }
0x1c: {  	v3 =	vsel vm4, $0x6E01, v3;
	v4 =	vsel vm1, $0x8204, v4;
	v5 =	vsel vm13, $0x2801, v5  }
0x1d: {  	v3 =	vsel vm3, $0x7802, v3;
	v4 =	vsel vm0, $0x8C05, v4;
	v5 =	vsel vm12, $0x3202, v5  }
0x1e: {  	v7 =	vsel vm2, $0x8203, v3;
	v6 =	vcombine.low v19, v18;
	v5 =	vsel vm11, $0x3C03, v5  }
0x1f: {  	v3 =	vsel vm5, $0x9606, v4;
	v7 =	vsel vm1, $0x8C04, v7;
	v5 =	vsel vm10, $0x4604, v5  }
0x20: {  	v4 =	vand.u32 $0xF, v6;
	v6 =	vsel vm0, $0x9605, v7;
	v7 =	vsel vm9, $0x5005, v5  }
0x21: {  	v12 =	vsel vm14, $0x3C00, v12;
	v13 =	vunpack.c.l.s4.s8 v13;
	v7 =	vsel vm8, $0x5A06, v7  }
0x22: {  	v5 =	vsel vm5, $0x6, v6;
	v6 =	vimm.s32 $0x210FEDCB;
	v7 =	vsel vm7, $0x6407, v7  }
0x23: {  	v14 =	vunpack.c.l.s4.s8 v14;
	v6 =	vunpack.c.l.s4.s8 v6;
	v7 =	vsel vm6, $0x6E00, v7  }
0x24: {  	v26 =	vunpack.c.l.s4.s8 v26;
	v8 =	vsel vm13, $0x3201, v8;
	v7 =	vsel vm4, $0x7801, v7  }
0x25: {  	v20 =	vunpack.c.0.s8.s32 v6;
	v6 =	vsel vm3, $0x8202, v7;
	v7 =	vsel vm12, $0x3C02, v8  }
0x26: {  	v21 =	vunpack.c.0.s8.s32 v9;
	v9 =	vimm.s32 $0xBA987654;
	v7 =	vsel vm11, $0x4603, v7  }
0x27: {  	v9 =	vunpack.c.l.s4.s8 v9;
	v8 =	vimm.s32 $0x3210FEDC;
	v7 =	vsel vm10, $0x5004, v7  }
0x28: {  	v6 =	vsel vm2, $0x8C03, v6;
	v8 =	vunpack.c.l.s4.s8 v8;
	v7 =	vsel vm9, $0x5A05, v7  }
0x29: {  	v23 =	vunpack.c.0.s8.s32 v9;
	v11 =	vsel vm1, $0x9604, v6;
	v6 =	vsel vm8, $0x6406, v7  }
0x2a: {  	v10 =	vcombine.low v21, v20;
	v22 =	vunpack.c.0.s8.s32 v8;
	v7 =	vsel vm7, $0x6E07, v6  }
0x2b: {  	v8 =	vsel vm0, $0x5, v11;
	v11 =	vimm.s32 $0x2807;
	v7 =	vsel vm6, $0x7800, v7  }
0x2c: {  	v6 =	vand.u32 $0xF, v10;
	v9 =	vcombine.low v23, v22;
	v10 =	vsel vm4, $0x8201, v7  }
0x2d: {  	v11 =	vsel vm14, $0x3200, v11;
	v7 =	vsel vm5, $0xA06, v8;
	v10 =	vsel vm3, $0x8C02, v10  }
0x2e: {  	v8 =	vand.u32 $0xF, v9;
	v9 =	vsel vm2, $0x9603, v10;
	v10 =	vsel vm13, $0x3C01, v11  }
0x2f: {  	v28 =	vunpack.c.0.s8.s32 v14;
	v11 =	vimm.s32 $0x43210FED;
	v10 =	vsel vm12, $0x4602, v10  }
0x30: {  	v14 =	vimm.s32 $0xEDCBA987;
	v11 =	vunpack.c.l.s4.s8 v11;
	v10 =	vsel vm11, $0x5003, v10  }
0x31: {  	v12 =	vsel vm13, $0x4601, v12;
	v14 =	vunpack.c.l.s4.s8 v14;
	v10 =	vsel vm10, $0x5A04, v10  }
0x32: {  	v24 =	vunpack.c.0.s8.s32 v11;
	v11 =	vsel vm12, $0x5002, v12;
	v10 =	vsel vm9, $0x6405, v10  }
0x33: {  	v25 =	vunpack.c.0.s8.s32 v13;
	v11 =	vsel vm11, $0x5A03, v11;
	v10 =	vsel vm8, $0x6E06, v10  }
0x34: {  	v32 =	vunpack.c.0.s8.s32 v14;
	v11 =	vsel vm10, $0x6404, v11;
	v10 =	vsel vm7, $0x7807, v10  }
0x35: {  	v0 =	vlaneseq.u32;
	v11 =	vsel vm9, $0x6E05, v11;
	v10 =	vsel vm6, $0x8200, v10  }
0x36: {  	v12 =	vcombine.low v25, v24;
	v11 =	vsel vm8, $0x7806, v11;
	v10 =	vsel vm4, $0x8C01, v10  }
0x37: {  	v9 =	vsel vm1, $0x4, v9;
	v11 =	vsel vm7, $0x8207, v11;
	v13 =	vsel vm3, $0x9602, v10  }
0x38: {  	v10 =	vand.u32 $0xF, v12;
	v12 =	vsel vm2, $0x3, v13;
	v13 =	vimm.s32 $0x543210FE  }
0x39: {  	v11 =	vsel vm6, $0x8C00, v11;
	v12 =	vsel vm1, $0xA04, v12;
	v13 =	vunpack.c.l.s4.s8 v13  }
0x3a: {  	v9 =	vsel vm0, $0xA05, v9;
	v11 =	vsel vm4, $0x9601, v11;
	v12 =	vsel vm0, $0x1405, v12  }
0x3b: {  	v15 =	vsel vm3, $0x2, v11;
	v11 =	vsel vm5, $0x1E06, v12;
	v27 =	vunpack.c.0.s8.s32 v13  }
0x3c: {  	v12 =	vsel vm2, $0xA03, v15;
	v13 =	vimm.s32 $0x6543210F;
	v15 =	vimm.s32 $0xFEDCBA98  }
0x3d: {  	v12 =	vsel vm1, $0x1404, v12;
	v13 =	vunpack.c.l.s4.s8 v13;
	v15 =	vunpack.c.l.s4.s8 v15  }
0x3e: {  	v9 =	vsel vm5, $0x1406, v9;
	v29 =	vcombine.low v28, v27;
	v30 =	vsel vm0, $0x1E05, v12  }
0x3f: {  	v28 =	vcombine.low v27, v28;
	v31 =	vunpack.c.0.s8.s32 v13;
	v14 =	vunpack.c.0.s8.s32 v15  }
0x40: {  	v13 =	vsel vm5, $0x2806, v30;
	v15 =	vunpack.c.0.s8.s32 v26;
	v12 =	vand.u32 $0xF, v29  }
0x41: {  	v29 =	vimm.s32 $0x3C07;
	v26 =	vcombine.low v32, v31;
	v14 =	vand.u32 $0xF, v14  }
0x42: {  	v30 =	vimm.s32 $0x4607;
	v29 =	vsel vm14, $0x4600, v29;
	v14 =	vcombine.low v14, v15  }
0x43: {  	v15 =	vand.u32 $0xF, v26;
	v26 =	vsel vm13, $0x5001, v29;
	v29 =	vsel vm14, $0x5000, v30  }
0x44: {  	v27 =	vimm.s32 $0x8207;
	v30 =	vcombine.low v16, v17;
	v29 =	vsel vm13, $0x5A01, v29  }
0x45: {  	v16 =	vimm.s32 $0x5007;
	v17 =	vsel vm12, $0x5A02, v26;
	v26 =	vsel vm12, $0x6402, v29  }
0x46: {  	v16 =	vsel vm14, $0x5A00, v16;
	v17 =	vsel vm11, $0x6403, v17;
	v26 =	vsel vm11, $0x6E03, v26  }
0x47: {  	v16 =	vsel vm13, $0x6401, v16;
	v17 =	vsel vm10, $0x6E04, v17;
	v26 =	vsel vm10, $0x7804, v26  }
0x48: {  	v16 =	vsel vm12, $0x6E02, v16;
	v17 =	vsel vm9, $0x7805, v17;
	v26 =	vsel vm9, $0x8205, v26  }
0x49: {  	v16 =	vsel vm11, $0x7803, v16;
	v17 =	vsel vm8, $0x8206, v17;
	v26 =	vsel vm8, $0x8C06, v26  }
0x4a: {  	v16 =	vsel vm10, $0x8204, v16;
	v17 =	vsel vm7, $0x8C07, v17;
	v26 =	vsel vm7, $0x9607, v26  }
0x4b: {  	v16 =	vsel vm9, $0x8C05, v16;
	v17 =	vsel vm6, $0x9600, v17;
	v26 =	vsel vm6, $0x0, v26  }
0x4c: {  	v16 =	vsel vm8, $0x9606, v16;
	v17 =	vsel vm4, $0x1, v17;
	v26 =	vsel vm4, $0xA01, v26  }
0x4d: {  	v16 =	vsel vm7, $0x7, v16;
	v17 =	vsel vm3, $0xA02, v17;
	v26 =	vsel vm3, $0x1402, v26  }
0x4e: {  	v16 =	vsel vm6, $0xA00, v16;
	v17 =	vsel vm2, $0x1403, v17;
	v26 =	vsel vm2, $0x1E03, v26  }
0x4f: {  	v16 =	vsel vm4, $0x1401, v16;
	v17 =	vsel vm1, $0x1E04, v17;
	v26 =	vsel vm1, $0x2804, v26  }
0x50: {  	v16 =	vsel vm3, $0x1E02, v16;
	v17 =	vsel vm0, $0x2805, v17;
	v26 =	vsel vm0, $0x3205, v26  }
0x51: {  	v29 =	vsel vm2, $0x2803, v16;
	v16 =	vsel vm5, $0x3206, v17;
	v17 =	vsel vm5, $0x3C06, v26  }
0x52: {  	v26 =	vsel vm1, $0x3204, v29;
	v29 =	vcombine.low v18, v19;
	v18 =	vand.u32 $0xF, v30  }
0x53: {  	v30 =	vcombine.low v20, v21;
	v21 =	vimm.s32 $0x6407;
	v26 =	vsel vm0, $0x3C05, v26  }
0x54: {  	v21 =	vsel vm14, $0x6E00, v21;
	v19 =	vsel vm5, $0x4606, v26;
	v26 =	vsel vm14, $0x6400, v33  }
0x55: {  	v20 =	vand.u32 $0xF, v29;
	v21 =	vsel vm13, $0x7801, v21;
	v26 =	vsel vm13, $0x6E01, v26  }
0x56: {  	v29 =	vcombine.low v22, v23;
	v22 =	vimm.s32 $0x6E07;
	v26 =	vsel vm12, $0x7802, v26  }
0x57: {  	v21 =	vsel vm12, $0x8202, v21;
	v22 =	vsel vm14, $0x7800, v22;
	v23 =	vsel vm11, $0x8203, v26  }
0x58: {  	v21 =	vsel vm11, $0x8C03, v21;
	v22 =	vsel vm13, $0x8201, v22;
	v23 =	vsel vm10, $0x8C04, v23  }
0x59: {  	v21 =	vsel vm10, $0x9604, v21;
	v22 =	vsel vm12, $0x8C02, v22;
	v23 =	vsel vm9, $0x9605, v23  }
0x5a: {  	v21 =	vsel vm9, $0x5, v21;
	v22 =	vsel vm11, $0x9603, v22;
	v23 =	vsel vm8, $0x6, v23  }
0x5b: {  	v21 =	vsel vm8, $0xA06, v21;
	v22 =	vsel vm10, $0x4, v22;
	v23 =	vsel vm7, $0xA07, v23  }
0x5c: {  	v21 =	vsel vm7, $0x1407, v21;
	v22 =	vsel vm9, $0xA05, v22;
	v23 =	vsel vm6, $0x1400, v23  }
0x5d: {  	v21 =	vsel vm6, $0x1E00, v21;
	v22 =	vsel vm8, $0x1406, v22;
	v23 =	vsel vm4, $0x1E01, v23  }
0x5e: {  	v21 =	vsel vm4, $0x2801, v21;
	v22 =	vsel vm7, $0x1E07, v22;
	v23 =	vsel vm3, $0x2802, v23  }
0x5f: {  	v21 =	vsel vm3, $0x3202, v21;
	v22 =	vsel vm6, $0x2800, v22;
	v23 =	vsel vm2, $0x3203, v23  }
0x60: {  	v21 =	vsel vm2, $0x3C03, v21;
	v22 =	vsel vm4, $0x3201, v22;
	v23 =	vsel vm1, $0x3C04, v23  }
0x61: {  	v26 =	vsel vm1, $0x4604, v21;
	v22 =	vsel vm3, $0x3C02, v22;
	v23 =	vsel vm0, $0x4605, v23  }
0x62: {  	v21 =	vsel vm5, $0x5006, v23;
	v23 =	vsel vm0, $0x5005, v26;
	v26 =	vsel vm2, $0x4603, v22  }
0x63: {  	v22 =	vand.u32 $0xF, v30;
	v30 =	vcombine.low v24, v25;
	v26 =	vsel vm1, $0x5004, v26  }
0x64: {  	v24 =	vand.u32 $0xF, v29;
	v29 =	vsel vm14, $0x8200, v62;
	v26 =	vsel vm0, $0x5A05, v26  }
0x65: {  	v27 =	vsel vm14, $0x8C00, v27;
	v29 =	vsel vm13, $0x8C01, v29;
	v25 =	vsel vm5, $0x6406, v26  }
0x66: {  	s6 =	rddreg [dreg:$0x0];
	v26 =	vand.u32 $0xF, v30;
	v30 =	vcombine.low v31, v32;
	v31 =	vimm.s32 $0x8C07  }
0x67: {  	s11 =	rddreg [dreg:$0x1];
	v27 =	vsel vm13, $0x9601, v27;
	v29 =	vsel vm12, $0x9602, v29;
	v31 =	vsel vm14, $0x9600, v31  }
0x68: {  	s2 =	srdreg.scid;
	s1 =	rddreg [dreg:$0x2];
	v28 =	vand.u32 $0xF, v28;
	v29 =	vsel vm11, $0x3, v29;
	v31 =	vsel vm13, $0x1, v31  }
0x69: {  	s0 =	stileid.u32;
	s3 =	rddreg [dreg:$0x3];
	v27 =	vsel vm12, $0x2, v27;
	v29 =	vsel vm10, $0xA04, v29;
	v31 =	vsel vm12, $0xA02, v31  }
0x6a: {  	s4 =	simm.s32 $0x0;
	s17 =	simm.s32 $0xA00;
	s18 =	simm.s32 $0x5000;
	v27 =	vsel vm11, $0xA03, v27;
	v29 =	vsel vm9, $0x1405, v29;
	v31 =	vsel vm11, $0x1403, v31  }
0x6b: {  	s19 =	simm.s32 $0x1;
	s20 =	simm.s32 $0xF000;
	s21 =	simm.s32 $0x50000;
	v27 =	vsel vm10, $0x1404, v27;
	v29 =	vsel vm8, $0x1E06, v29;
	v31 =	vsel vm10, $0x1E04, v31  }
0x6c: {  	s22 =	simm.s32 $0x0;
	s7 =	sand.u32 $0x1, s2;
	s2 =	rddreg [dreg:$0x4];
	v27 =	vsel vm9, $0x1E05, v27;
	v29 =	vsel vm7, $0x2807, v29;
	v31 =	vsel vm9, $0x2805, v31  }
0x6d: {  	s29 =	sshll.u32 s0, $0x1;
	[smem:$0x7FF] =	sst s4;
	s9 =	smul.u32 $0x2710, s0;
	v27 =	vsel vm8, $0x2806, v27;
	v29 =	vsel vm6, $0x3200, v29;
	v31 =	vsel vm8, $0x3206, v31  }
0x6e: {  	s31 =	sshll.u32 s0, $0x6;
	s5 =	sor.u32 s7, s29;
	_ =	strace $0x80000047;
	v27 =	vsel vm7, $0x3207, v27;
	v29 =	vsel vm4, $0x3C01, v29;
	v31 =	vsel vm7, $0x3C07, v31  }
0x6f: {  	s7 =	ssub.s32 $0x2, s7;
	s5 =	smul.u32 $0x2800, s5;
	s8 =	sshrl.u32 s9, $0x3;
	v27 =	vsel vm6, $0x3C00, v27;
	v29 =	vsel vm3, $0x4602, v29;
	v31 =	vsel vm6, $0x4600, v31  }
0x70: {  	s30 =	sshrl.u32 s7, $0x1;
	s15 =	sadd.s32 s9, s1;
	s16 =	sadd.s32 s9, s3;
	v27 =	vsel vm4, $0x4601, v27;
	v29 =	vsel vm2, $0x5003, v29;
	v31 =	vsel vm4, $0x5001, v31  }
0x71: {  	s13 =	sadd.s32 s8, s6;
	s14 =	ssub.s32 s7, s30;
	s8 =	sor.u32 $0x1C02, s31;
	v27 =	vsel vm3, $0x5002, v27;
	v29 =	vsel vm1, $0x5A04, v29;
	v31 =	vsel vm3, $0x5A02, v31  }
0x72: {  	s12 =	sshrl.u32 s5, $0x3;
	s7 =	sadd.s32 $0x7200, s13;
	s9 =	sadd.s32 $0x2200, s13;
	v63 =	vsel vm2, $0x5A03, v27;
	v29 =	vsel vm0, $0x6405, v29;
	v31 =	vsel vm2, $0x6403, v31  }
0x73: {  	s13 =	sshrl.u32 s15, $0x3;
	s15 =	sshrl.u32 s16, $0x3;
	s16 =	simm.s32 $0x2800;
	v27 =	vsel vm5, $0x6E06, v29;
	v29 =	vsel vm1, $0x6404, v63;
	v31 =	vsel vm1, $0x6E04, v31  }
0x74: {  	s10 =	sadd.s32 s12, s6;
	s6 =	sadd.s32 $0x16200, s6;
	s11 =	sadd.s32 s11, s12;
	v23 =	vsel vm5, $0x5A06, v23;
	v29 =	vsel vm0, $0x6E05, v29;
	v31 =	vsel vm0, $0x7805, v31  }
0x75: {  	s12 =	smax.u32 s14, $0x1;
	s14 =	simm.s32 $0x2;
	s10 =	sadd.s32 $0xC200, s10;
	v30 =	vand.u32 $0xF, v30;
	v29 =	vsel vm5, $0x7806, v29;
	v31 =	vsel vm5, $0x8206, v31  }
.LBB2_1:
0x76: {  	[spmem:s13], [sflag:s8] =	dma.local [hbm:s7], $0x4E2  }
0x77: {  	_ =	swait.ge [sflag:s14], $0x4E2  }
0x78: {  	[sflag:s14] =	ssyncset.done $0x0  }
0x79: {  	[sflag:s14] =	ssyncadd.s32 $0xFFFFFB1E  }
0x7a: {  	[spmem:s15], [sflag:s8] =	dma.local [hbm:s9], $0x4E2  }
0x7b: {  	_ =	swait.ge [sflag:s14], $0x4E2  }
0x7c: {  	[sflag:s14] =	ssyncset.done $0x0  }
0x7d: {  	[sflag:s14] =	ssyncadd.s32 $0xFFFFFB1E  }
0x7e: {  	[tilespmem:s4], [sflag:$0x2] =	stream.linear.gather [hbm4b:s10+s4], $0x2800, $0x38;
	[tilespmem:$0x1DE20] =	vst v63  }
0x7f: {  	_ =	swait.ge [sflag:s14], $0x2800  }
0x80: {  	[sflag:s14] =	ssyncset.done $0x0  }
0x81: {  	[sflag:s14] =	ssyncadd.s32 $0xFFFFD800  }
0x82: {  	[tilespmem:s16], [sflag:$0x2] =	stream.linear.gather [hbm4b:s11+s4], $0x2800, $0x38;
	[tilespmem:$0x1DE20] =	vst v63  }
0x83: {  	_ =	swait.ge [sflag:s14], $0x2800  }
0x84: {  	[sflag:s14] =	ssyncset.done $0x0  }
0x85: {  	[sflag:s14] =	ssyncadd.s32 $0xFFFFD800  }
0x86: {  	s23 =	simm.s32 $0x0;
	[bflag:$0x0] =	sbarrier.arrive $0xFFFF  }
.LBB2_2:
0x87: {  	s24 =	smul.u32 $0xA00, s23  }
0x88: {  	s25 =	simm.s32 $0x0  }
0x89: {  	[tilespmem:s18], [sflag:$0x1] =	stream.indirect.gather [spmem:s1], $0x10, s24, s17, $0xb8;
	[tilespmem:$0x1DE20] =	vst v63  }
0x8a: {  	v32 =	vor.u32 s25, v0;
	_ =	swait.ge [sflag:s19], $0xA000  }
0x8b: {  	v33 =	vshll.u32 v32, $0x4;
	[sflag:s19] =	ssyncset.done $0x0  }
0x8c: {  	s30 =	sadd.s32 $0x2800, s24;
	v34 =	vor.u32 v0, v33;
	[sflag:s19] =	ssyncadd.s32 $0xFFFF6000  }
0x8d: {  	[tilespmem:s18], [sflag:$0x1] =	stream.indirect.gather.add.f32 [spmem:s3], $0x10, s30, s17, $0xb8;
	[tilespmem:$0x1DE20] =	vst v63  }
0x8e: {  	_ =	swait.ge [sflag:s19], $0xA000  }
0x8f: {  	[sflag:s19] =	ssyncset.done $0x0  }
0x90: {  	v32 =	vand.u32 $0xFF8, v32;
	[sflag:s19] =	ssyncadd.s32 $0xFFFF6000  }
0x91: {  	v35 =	vadd.s32 v1, v32;
	v34 =	vld.idx.msk [tilespmem:v34+s18+$0x0], $0xffff  }
0x92: {  	v36 =	vor.u32 v2, v33;
	_ =	sdelay $0x3  }
0x93: {  	[tilespmem:v35+s20+$0x0] =	vst.idx.msk $0xffff, v34  }
0x94: {  	v61 =	vadd.s32 v3, v32;
	v34 =	vld.idx.msk [tilespmem:v36+s18+$0x0], $0xffff  }
0x95: {  	v62 =	vor.u32 v4, v33;
	_ =	sdelay $0x3  }
0x96: {  	[tilespmem:v61+s20+$0x0] =	vst.idx.msk $0xffff, v34  }
0x97: {  	v63 =	vadd.s32 v5, v32;
	v34 =	vld.idx.msk [tilespmem:v62+s18+$0x0], $0xffff  }
0x98: {  	v40 =	vor.u32 v6, v33;
	_ =	sdelay $0x3  }
0x99: {  	[tilespmem:v63+s20+$0x0] =	vst.idx.msk $0xffff, v34  }
0x9a: {  	v41 =	vadd.s32 v7, v32;
	v34 =	vld.idx.msk [tilespmem:v40+s18+$0x0], $0xffff  }
0x9b: {  	v42 =	vor.u32 v8, v33;
	_ =	sdelay $0x3  }
0x9c: {  	[tilespmem:v41+s20+$0x0] =	vst.idx.msk $0xffff, v34  }
0x9d: {  	v43 =	vadd.s32 v9, v32;
	v34 =	vld.idx.msk [tilespmem:v42+s18+$0x0], $0xffff  }
0x9e: {  	v44 =	vor.u32 v10, v33;
	_ =	sdelay $0x3  }
0x9f: {  	[tilespmem:v43+s20+$0x0] =	vst.idx.msk $0xffff, v34  }
0xa0: {  	v45 =	vadd.s32 v11, v32;
	v34 =	vld.idx.msk [tilespmem:v44+s18+$0x0], $0xffff  }
0xa1: {  	v46 =	vor.u32 v12, v33;
	_ =	sdelay $0x3  }
0xa2: {  	[tilespmem:v45+s20+$0x0] =	vst.idx.msk $0xffff, v34  }
0xa3: {  	v47 =	vadd.s32 v13, v32;
	v34 =	vld.idx.msk [tilespmem:v46+s18+$0x0], $0xffff  }
0xa4: {  	v48 =	vor.u32 v15, v33;
	_ =	sdelay $0x3  }
0xa5: {  	[tilespmem:v47+s20+$0x0] =	vst.idx.msk $0xffff, v34  }
0xa6: {  	v49 =	vadd.s32 v16, v32;
	v34 =	vld.idx.msk [tilespmem:v48+s18+$0x0], $0xffff  }
0xa7: {  	v50 =	vor.u32 v14, v33;
	_ =	sdelay $0x3  }
0xa8: {  	[tilespmem:v49+s20+$0x0] =	vst.idx.msk $0xffff, v34  }
0xa9: {  	v51 =	vadd.s32 v17, v32;
	v34 =	vld.idx.msk [tilespmem:v50+s18+$0x0], $0xffff  }
0xaa: {  	v52 =	vor.u32 v18, v33;
	_ =	sdelay $0x3  }
0xab: {  	[tilespmem:v51+s20+$0x0] =	vst.idx.msk $0xffff, v34  }
0xac: {  	v53 =	vadd.s32 v19, v32;
	v34 =	vld.idx.msk [tilespmem:v52+s18+$0x0], $0xffff  }
0xad: {  	v54 =	vor.u32 v20, v33;
	_ =	sdelay $0x3  }
0xae: {  	[tilespmem:v53+s20+$0x0] =	vst.idx.msk $0xffff, v34  }
0xaf: {  	v55 =	vadd.s32 v21, v32;
	v34 =	vld.idx.msk [tilespmem:v54+s18+$0x0], $0xffff  }
0xb0: {  	v56 =	vor.u32 v22, v33;
	_ =	sdelay $0x3  }
0xb1: {  	[tilespmem:v55+s20+$0x0] =	vst.idx.msk $0xffff, v34  }
0xb2: {  	v57 =	vadd.s32 v23, v32;
	v34 =	vld.idx.msk [tilespmem:v56+s18+$0x0], $0xffff  }
0xb3: {  	v58 =	vor.u32 v24, v33;
	_ =	sdelay $0x3  }
0xb4: {  	[tilespmem:v57+s20+$0x0] =	vst.idx.msk $0xffff, v34  }
0xb5: {  	v59 =	vadd.s32 v25, v32;
	v34 =	vld.idx.msk [tilespmem:v58+s18+$0x0], $0xffff  }
0xb6: {  	v60 =	vor.u32 v26, v33;
	_ =	sdelay $0x3  }
0xb7: {  	[tilespmem:v59+s20+$0x0] =	vst.idx.msk $0xffff, v34  }
0xb8: {  	v61 =	vadd.s32 v27, v32;
	v34 =	vld.idx.msk [tilespmem:v60+s18+$0x0], $0xffff  }
0xb9: {  	v62 =	vor.u32 v28, v33;
	_ =	sdelay $0x3  }
0xba: {  	[tilespmem:v61+s20+$0x0] =	vst.idx.msk $0xffff, v34  }
0xbb: {  	v63 =	vadd.s32 v29, v32;
	v34 =	vld.idx.msk [tilespmem:v62+s18+$0x0], $0xffff  }
0xbc: {  	v33 =	vor.u32 v30, v33;
	_ =	sdelay $0x3  }
0xbd: {  	s31 =	simm.s32 $0x10;
	[tilespmem:v63+s20+$0x0] =	vst.idx.msk $0xffff, v34  }
0xbe: {  	s25 =	simm.s32 $0x20;
	v34 =	vor.u32 s31, v0;
	v35 =	vld.idx.msk [tilespmem:v33+s18+$0x0], $0xffff  }
.LBB2_3:
0xbf: {  	p0 =	sne.s32 s25, $0x9F0;
	v33 =	vshll.u32 v34, $0x4;
	v32 =	vadd.s32 v31, v32  }
0xc0: {  	v36 =	vor.u32 v0, v33;
	_ =	sdelay $0x3  }
0xc1: {  	[tilespmem:v32+s20+$0x0] =	vst.idx.msk $0xffff, v35  }
0xc2: {  	v32 =	vand.u32 $0xFF8, v34;
	v35 =	vld.idx.msk [tilespmem:v36+s18+$0x0], $0xffff  }
0xc3: {  	v34 =	vadd.s32 v1, v32  }
0xc4: {  	v36 =	vor.u32 v2, v33;
	_ =	sdelay $0x3  }
0xc5: {  	[tilespmem:v34+s20+$0x0] =	vst.idx.msk $0xffff, v35  }
0xc6: {  	v34 =	vld.idx.msk [tilespmem:v36+s18+$0x0], $0xffff  }
0xc7: {  	v35 =	vadd.s32 v3, v32  }
0xc8: {  	v36 =	vor.u32 v4, v33;
	_ =	sdelay $0x3  }
0xc9: {  	[tilespmem:v35+s20+$0x0] =	vst.idx.msk $0xffff, v34  }
0xca: {  	v34 =	vld.idx.msk [tilespmem:v36+s18+$0x0], $0xffff  }
0xcb: {  	v35 =	vadd.s32 v5, v32  }
0xcc: {  	v36 =	vor.u32 v6, v33;
	_ =	sdelay $0x3  }
0xcd: {  	[tilespmem:v35+s20+$0x0] =	vst.idx.msk $0xffff, v34  }
0xce: {  	v34 =	vld.idx.msk [tilespmem:v36+s18+$0x0], $0xffff  }
0xcf: {  	v35 =	vadd.s32 v7, v32  }
0xd0: {  	v36 =	vor.u32 v8, v33;
	_ =	sdelay $0x3  }
0xd1: {  	[tilespmem:v35+s20+$0x0] =	vst.idx.msk $0xffff, v34  }
0xd2: {  	v34 =	vld.idx.msk [tilespmem:v36+s18+$0x0], $0xffff  }
0xd3: {  	v35 =	vadd.s32 v9, v32  }
0xd4: {  	v36 =	vor.u32 v10, v33;
	_ =	sdelay $0x3  }
0xd5: {  	[tilespmem:v35+s20+$0x0] =	vst.idx.msk $0xffff, v34  }
0xd6: {  	v34 =	vld.idx.msk [tilespmem:v36+s18+$0x0], $0xffff  }
0xd7: {  	v35 =	vadd.s32 v11, v32  }
0xd8: {  	v36 =	vor.u32 v12, v33;
	_ =	sdelay $0x3  }
0xd9: {  	[tilespmem:v35+s20+$0x0] =	vst.idx.msk $0xffff, v34  }
0xda: {  	v34 =	vld.idx.msk [tilespmem:v36+s18+$0x0], $0xffff  }
0xdb: {  	v35 =	vadd.s32 v13, v32  }
0xdc: {  	v36 =	vor.u32 v15, v33;
	_ =	sdelay $0x3  }
0xdd: {  	[tilespmem:v35+s20+$0x0] =	vst.idx.msk $0xffff, v34  }
0xde: {  	v34 =	vld.idx.msk [tilespmem:v36+s18+$0x0], $0xffff  }
0xdf: {  	v35 =	vadd.s32 v16, v32  }
0xe0: {  	v36 =	vor.u32 v14, v33;
	_ =	sdelay $0x3  }
0xe1: {  	[tilespmem:v35+s20+$0x0] =	vst.idx.msk $0xffff, v34  }
0xe2: {  	v34 =	vld.idx.msk [tilespmem:v36+s18+$0x0], $0xffff  }
0xe3: {  	v35 =	vadd.s32 v17, v32  }
0xe4: {  	v36 =	vor.u32 v18, v33;
	_ =	sdelay $0x3  }
0xe5: {  	[tilespmem:v35+s20+$0x0] =	vst.idx.msk $0xffff, v34  }
0xe6: {  	v34 =	vld.idx.msk [tilespmem:v36+s18+$0x0], $0xffff  }
0xe7: {  	v35 =	vadd.s32 v19, v32  }
0xe8: {  	v36 =	vor.u32 v20, v33;
	_ =	sdelay $0x3  }
0xe9: {  	[tilespmem:v35+s20+$0x0] =	vst.idx.msk $0xffff, v34  }
0xea: {  	v34 =	vld.idx.msk [tilespmem:v36+s18+$0x0], $0xffff  }
0xeb: {  	v35 =	vadd.s32 v21, v32  }
0xec: {  	v36 =	vor.u32 v22, v33;
	_ =	sdelay $0x3  }
0xed: {  	[tilespmem:v35+s20+$0x0] =	vst.idx.msk $0xffff, v34  }
0xee: {  	v34 =	vld.idx.msk [tilespmem:v36+s18+$0x0], $0xffff  }
0xef: {  	v35 =	vadd.s32 v23, v32  }
0xf0: {  	v36 =	vor.u32 v24, v33;
	_ =	sdelay $0x3  }
0xf1: {  	[tilespmem:v35+s20+$0x0] =	vst.idx.msk $0xffff, v34  }
0xf2: {  	v34 =	vld.idx.msk [tilespmem:v36+s18+$0x0], $0xffff  }
0xf3: {  	v35 =	vadd.s32 v25, v32  }
0xf4: {  	v36 =	vor.u32 v26, v33;
	_ =	sdelay $0x3  }
0xf5: {  	[tilespmem:v35+s20+$0x0] =	vst.idx.msk $0xffff, v34  }
0xf6: {  	v34 =	vld.idx.msk [tilespmem:v36+s18+$0x0], $0xffff  }
0xf7: {  	v35 =	vadd.s32 v27, v32  }
0xf8: {  	v36 =	vor.u32 v28, v33;
	_ =	sdelay $0x3  }
0xf9: {  	[tilespmem:v35+s20+$0x0] =	vst.idx.msk $0xffff, v34  }
0xfa: {  	v34 =	vld.idx.msk [tilespmem:v36+s18+$0x0], $0xffff  }
0xfb: {  	v35 =	vadd.s32 v29, v32  }
0xfc: {  	v33 =	vor.u32 v30, v33  }
.Ltmp0:
0xfd: {  	(pc) =	sbr.rel @p0 .LBB2_3-.Ltmp0, $3  }
0xfe: {  	_ =	sdelay $0x1  }
0xff: {  	[tilespmem:v35+s20+$0x0] =	vst.idx.msk $0xffff, v34  }
0x100: {  	v34 =	vor.u32 s25, v0;
	s25 =	sadd.s32 $0x10, s25;
	v35 =	vld.idx.msk [tilespmem:v33+s18+$0x0], $0xffff  }
0x101: {  	v33 =	vshll.u32 v34, $0x4;
	v32 =	vadd.s32 v31, v32  }
0x102: {  	v36 =	vor.u32 v0, v33;
	_ =	sdelay $0x3  }
0x103: {  	[tilespmem:v32+s20+$0x0] =	vst.idx.msk $0xffff, v35;
	v32 =	vand.u32 $0xFF8, v34  }
0x104: {  	v58 =	vld.idx.msk [tilespmem:v36+s18+$0x0], $0xffff;
	v59 =	vadd.s32 v1, v32  }
0x105: {  	v60 =	vor.u32 v2, v33;
	_ =	sdelay $0x3  }
0x106: {  	[tilespmem:v59+s20+$0x0] =	vst.idx.msk $0xffff, v58  }
0x107: {  	v61 =	vadd.s32 v3, v32;
	v34 =	vld.idx.msk [tilespmem:v60+s18+$0x0], $0xffff  }
0x108: {  	v62 =	vor.u32 v4, v33;
	_ =	sdelay $0x3  }
0x109: {  	[tilespmem:v61+s20+$0x0] =	vst.idx.msk $0xffff, v34  }
0x10a: {  	v63 =	vadd.s32 v5, v32;
	v34 =	vld.idx.msk [tilespmem:v62+s18+$0x0], $0xffff  }
0x10b: {  	v40 =	vor.u32 v6, v33;
	_ =	sdelay $0x3  }
0x10c: {  	[tilespmem:v63+s20+$0x0] =	vst.idx.msk $0xffff, v34  }
0x10d: {  	v41 =	vadd.s32 v7, v32;
	v34 =	vld.idx.msk [tilespmem:v40+s18+$0x0], $0xffff  }
0x10e: {  	v42 =	vor.u32 v8, v33;
	_ =	sdelay $0x3  }
0x10f: {  	[tilespmem:v41+s20+$0x0] =	vst.idx.msk $0xffff, v34  }
0x110: {  	v43 =	vadd.s32 v9, v32;
	v34 =	vld.idx.msk [tilespmem:v42+s18+$0x0], $0xffff  }
0x111: {  	v44 =	vor.u32 v10, v33;
	_ =	sdelay $0x3  }
0x112: {  	[tilespmem:v43+s20+$0x0] =	vst.idx.msk $0xffff, v34  }
0x113: {  	v45 =	vadd.s32 v11, v32;
	v34 =	vld.idx.msk [tilespmem:v44+s18+$0x0], $0xffff  }
0x114: {  	v46 =	vor.u32 v12, v33;
	_ =	sdelay $0x3  }
0x115: {  	[tilespmem:v45+s20+$0x0] =	vst.idx.msk $0xffff, v34  }
0x116: {  	v47 =	vadd.s32 v13, v32;
	v34 =	vld.idx.msk [tilespmem:v46+s18+$0x0], $0xffff  }
0x117: {  	v48 =	vor.u32 v15, v33;
	_ =	sdelay $0x3  }
0x118: {  	[tilespmem:v47+s20+$0x0] =	vst.idx.msk $0xffff, v34  }
0x119: {  	v49 =	vadd.s32 v16, v32;
	v34 =	vld.idx.msk [tilespmem:v48+s18+$0x0], $0xffff  }
0x11a: {  	v50 =	vor.u32 v14, v33;
	_ =	sdelay $0x3  }
0x11b: {  	[tilespmem:v49+s20+$0x0] =	vst.idx.msk $0xffff, v34  }
0x11c: {  	v51 =	vadd.s32 v17, v32;
	v34 =	vld.idx.msk [tilespmem:v50+s18+$0x0], $0xffff  }
0x11d: {  	v52 =	vor.u32 v18, v33;
	_ =	sdelay $0x3  }
0x11e: {  	[tilespmem:v51+s20+$0x0] =	vst.idx.msk $0xffff, v34  }
0x11f: {  	v53 =	vadd.s32 v19, v32;
	v34 =	vld.idx.msk [tilespmem:v52+s18+$0x0], $0xffff  }
0x120: {  	v54 =	vor.u32 v20, v33;
	_ =	sdelay $0x3  }
0x121: {  	[tilespmem:v53+s20+$0x0] =	vst.idx.msk $0xffff, v34  }
0x122: {  	v55 =	vadd.s32 v21, v32;
	v34 =	vld.idx.msk [tilespmem:v54+s18+$0x0], $0xffff  }
0x123: {  	v56 =	vor.u32 v22, v33;
	_ =	sdelay $0x3  }
0x124: {  	[tilespmem:v55+s20+$0x0] =	vst.idx.msk $0xffff, v34  }
0x125: {  	v57 =	vadd.s32 v23, v32;
	v34 =	vld.idx.msk [tilespmem:v56+s18+$0x0], $0xffff  }
0x126: {  	v58 =	vor.u32 v24, v33;
	_ =	sdelay $0x3  }
0x127: {  	[tilespmem:v57+s20+$0x0] =	vst.idx.msk $0xffff, v34  }
0x128: {  	v59 =	vadd.s32 v25, v32;
	v34 =	vld.idx.msk [tilespmem:v58+s18+$0x0], $0xffff  }
0x129: {  	v60 =	vor.u32 v26, v33;
	_ =	sdelay $0x3  }
0x12a: {  	[tilespmem:v59+s20+$0x0] =	vst.idx.msk $0xffff, v34  }
0x12b: {  	v61 =	vadd.s32 v27, v32;
	v34 =	vld.idx.msk [tilespmem:v60+s18+$0x0], $0xffff  }
0x12c: {  	v62 =	vor.u32 v28, v33;
	_ =	sdelay $0x3  }
0x12d: {  	[tilespmem:v61+s20+$0x0] =	vst.idx.msk $0xffff, v34  }
0x12e: {  	v63 =	vadd.s32 v29, v32;
	v34 =	vld.idx.msk [tilespmem:v62+s18+$0x0], $0xffff  }
0x12f: {  	v33 =	vor.u32 v30, v33;
	_ =	sdelay $0x3  }
0x130: {  	[tilespmem:v63+s20+$0x0] =	vst.idx.msk $0xffff, v34  }
0x131: {  	v32 =	vadd.s32 v31, v32;
	v33 =	vld.idx.msk [tilespmem:v33+s18+$0x0], $0xffff;
	_ =	sdelay $0x2  }
0x132: {  	s24 =	sadd.s32 s5, s24;
	s23 =	sadd.s32 $0x1, s23  }
0x133: {  	s24 =	sshrl.u32 s24, $0x3;
	p0 =	sne.s32 s23, $0x4  }
.Ltmp1:
0x134: {  	s24 =	sadd.s32 s6, s24;
	[tilespmem:v32+s20+$0x0] =	vst.idx.msk $0xffff, v33;
	(pc) =	sbr.rel @p0 .LBB2_2-.Ltmp1, $4  }
0x135: {  	[hbm4b:s24+s17] =	stream.strided.scatter [tilespmem:s20], [sflag:$0x2], $0xA000, s21, s17, $0x38;
	[tilespmem:$0x1DE20] =	vst v63  }
0x136: {  	_ =	swait.ge [sflag:s14], $0xA000  }
0x137: {  	[sflag:s14] =	ssyncset.done $0x0  }
0x138: {  	[sflag:s14] =	ssyncadd.s32 $0xFFFF6000  }
0x139: {  	s22 =	sadd.s32 $0x1, s22  }
0x13a: {  	p0 =	sne.s32 s22, s12  }
.Ltmp2:
0x13b: {  	_ = 	snop;
	(pc) =	sbr.rel @p0 .LBB2_1-.Ltmp2, $1  }
0x13c: {  	_ =	sdelay $0x3  }
0x13d: {  	_ =	sfence.sel $0x180000  }
0x13e: {  	[bflag:$0x0] =	sbarrier.arrive $0xFFFF  }
0x13f: {  	p0 =	sne.s32 s0, $0x0;
	_ =	strace $0x90000047  }
0x140: {  	s0 =	sadd.s32 @!p0 $0x100000, s2;
	[bflag:$0x2] =	sbarrier.arrive $0xFFFF  }
0x141: {  	[sflag:s0] =	ssyncadd.tile.s32 @!p0 $0x1;
	_ =	shalt  }
.Lfunc_end2:
_tile_overlayer_lowered:
.L_overlay_start_2:
0x142: {  	(tag) =	ssettag $0x2  }
0x143: {  	s0 =	rddreg [dreg:$0x0];
	s2 =	stileid.u32  }
0x144: {  	s1 =	rddreg [dreg:$0x1];
	p0 =	sne.s32 s2, $0x0  }
0x145: {  	s3 =	rddreg [dreg:$0x2];
	[bflag:$0x3] =	sbarrier.arrive $0xFFFF;
	s2 =	simm.s32 @!p0 $0x1C02  }
0x146: {  	[timem:s3], [sflag:s2] =	dma.local @!p0 [hbm:s0], s1  }
0x147: {  	s0 =	simm.s32 @!p0 $0x2  }
0x148: {  	_ =	swait.ge @!p0 [sflag:s0], s1  }
0x149: {  	s1 =	ssub.s32 @!p0 $0x0, s1;
	[sflag:s0] =	ssyncset.done @!p0 $0x0  }
0x14a: {  	[sflag:s0] =	ssyncadd.s32 @!p0 s1  }
0x14b: {  	[bflag:$0x3] =	sbarrier.arrive $0xFFFF  }
0x14c: {  	_ =	shalt  }

</sc_bundles>
